<compile_context>
chip_gen: v7x
topology: tpu7x:2x2x1
jax: 0.10.2.dev20260603
libtpu: 0.0.44.dev20260713+nightly
codegen_flags: <defaults>
</compile_context>

<pallas_src>
import functools

import jax
import jax.numpy as jnp
from jax import lax
from jax.experimental import pallas as pl
from jax.experimental.pallas import tpu as pltpu
from jax.experimental.pallas import tpu_sc as plsc

NC = 2
NS = 16
L = 16
NW = NC * NS

C = 8
NG = 3


def _emb_body(B, S, D, tok_hbm, table_hbm, pos_hbm, out_hbm,
              idx_v, rows_v, pos_v, g0, g1, g2, s0, s1, s2, psem):
    wid = lax.axis_index("s") * NC + lax.axis_index("c")
    SR = S // NW
    NJ = SR // C
    sbase = wid * SR
    nvec = D // L
    gsem = (g0, g1, g2)
    ssem = (s0, s1, s2)

    def issue_pos(j):
        pltpu.async_copy(pos_hbm.at[pl.ds(sbase + j * C, C)], pos_v, psem)

    def wait_pos():
        pltpu.make_async_copy(pos_hbm.at[pl.ds(0, C)], pos_v, psem).wait()

    def issue_gathers(j, g):
        for k in range(B):
            pltpu.async_copy(
                table_hbm.at[idx_v.at[pl.ds(k * SR + j * C, C)]],
                rows_v.at[g, pl.ds(k * C, C)], gsem[g])

    def wait_gathers(g):
        pltpu.make_async_copy(
            table_hbm.at[idx_v.at[pl.ds(0, B * C)]], rows_v.at[g],
            gsem[g]).wait()

    def issue_stores(j, g):
        for k in range(B):
            pltpu.async_copy(
                rows_v.at[g, pl.ds(k * C, C)],
                out_hbm.at[pl.ds(k * S + sbase + j * C, C)], ssem[g])

    def wait_stores(g):
        pltpu.make_async_copy(
            rows_v.at[g], out_hbm.at[pl.ds(0, B * C)], ssem[g]).wait()

    def body(j, g, store_wait=True, prefetch=True):
        gn = (g + 1) % NG
        if prefetch:
            if store_wait:
                wait_stores(gn)
            issue_gathers(j + 1, gn)
        wait_gathers(g)


        issue_stores(j, g)

    for k in range(B):
        pltpu.sync_copy(tok_hbm.at[pl.ds(k * S + sbase, SR)],
                        idx_v.at[pl.ds(k * SR, SR)])

    issue_gathers(0, 0)
    body(0, 0, store_wait=False)
    body(1, 1, store_wait=False)
    body(2, 2)
    body(3, 0)

    def super_body(t, carry):
        j = 4 + 3 * t
        body(j, 1)
        body(j + 1, 2)
        body(j + 2, 0)
        return carry

    lax.fori_loop(0, (NJ - 5) // NG, super_body, 0)

    body(NJ - 1, (NJ - 1) % NG, prefetch=False)
    for g in range(NG):
        wait_stores(g)


def kernel(input_tokens, token_table, pos_table):
    B, S = input_tokens.shape
    _, D = token_table.shape
    N = B * S
    SR = S // NW

    mesh = plsc.VectorSubcoreMesh(core_axis_name="c", subcore_axis_name="s")
    k = functools.partial(
        pl.kernel,
        mesh=mesh,
        out_type=jax.ShapeDtypeStruct((N, D), jnp.float32),
        scratch_types=[
            pltpu.VMEM((B * SR,), jnp.int32),
            pltpu.VMEM((NG, B * C, D), jnp.float32),
            pltpu.VMEM((C, D), jnp.float32),
            pltpu.SemaphoreType.DMA,
            pltpu.SemaphoreType.DMA,
            pltpu.SemaphoreType.DMA,
            pltpu.SemaphoreType.DMA,
            pltpu.SemaphoreType.DMA,
            pltpu.SemaphoreType.DMA,
            pltpu.SemaphoreType.DMA,
        ],
    )(functools.partial(_emb_body, B, S, D))

    tok_flat = input_tokens.reshape(-1).astype(jnp.int32)
    out = k(tok_flat, token_table, pos_table)
    return out.reshape(B, S, D)

# --- scband reference (transcript-rebuilt; emitter-appended) ---
"""Pipeline reference for scband-embeddings-66176856096802 (READ-ONLY COPY).

The authoritative reference and input builder live on the scoring server;
editing this copy changes nothing except your own understanding.
"""

import jax, jax.numpy as jnp
import numpy as np

VOCAB_SIZE = 100000
MODEL_DIM = 1024
MAX_SEQ_LEN = 8192
BATCH = 4
SEQ_LEN = 8192


def setup_inputs(seed: int = 0) -> dict:
    key = jax.random.key(seed)
    k1, k2, k3 = jax.random.split(key, 3)
    input_tokens = jax.random.randint(k1, (BATCH, SEQ_LEN), 0, VOCAB_SIZE, dtype=jnp.int64 if jax.config.jax_enable_x64 else jnp.int32)
    token_table = jax.random.normal(k2, (VOCAB_SIZE, MODEL_DIM), dtype=jnp.float32) * 0.02
    pos_table = jax.random.normal(k3, (MAX_SEQ_LEN, MODEL_DIM), dtype=jnp.float32) * 0.02
    return {"input_tokens": input_tokens, "token_table": token_table, "pos_table": pos_table}


def reference(input_tokens, token_table, pos_table):
    seq_len = input_tokens.shape[1]
    positions = jnp.arange(seq_len)[None, :]  # [1, seq_len]
    tok_embeddings = jnp.take(token_table, input_tokens, axis=0)  # [B, S, D]
    pos_embeddings = jnp.take(pos_table, positions, axis=0)  # [1, S, D]
    return tok_embeddings + pos_embeddings

if __name__ == "__main__":
    import jax
    _d = setup_inputs()
    print(jax.jit(kernel)(*tuple(_d.values())))

</pallas_src>

<mosaic_0001>
#map = affine_map<(d0, d1) -> (0)>
#map1 = affine_map<(d0, d1) -> (0, 0)>
module attributes {stable_mosaic.version = 14 : i64} {
  func.func @_emb_body(%arg0: i32, %arg1: i32, %arg2: memref<32768xi32, #tpu.memory_space<hbm>>, %arg3: memref<100000x1024xf32, #tpu.memory_space<hbm>>, %arg4: memref<8192x1024xf32, #tpu.memory_space<hbm>>, %arg5: memref<32768x1024xf32, #tpu.memory_space<hbm>>, %arg6: memref<1024xi32, #tpu.memory_space<vmem>>, %arg7: memref<3x32x1024xf32, #tpu.memory_space<vmem>>, %arg8: memref<8x1024xf32, #tpu.memory_space<vmem>>, %arg9: memref<!tpu.dma_semaphore, #tpu.memory_space<semaphore_mem>>, %arg10: memref<!tpu.dma_semaphore, #tpu.memory_space<semaphore_mem>>, %arg11: memref<!tpu.dma_semaphore, #tpu.memory_space<semaphore_mem>>, %arg12: memref<!tpu.dma_semaphore, #tpu.memory_space<semaphore_mem>>, %arg13: memref<!tpu.dma_semaphore, #tpu.memory_space<semaphore_mem>>, %arg14: memref<!tpu.dma_semaphore, #tpu.memory_space<semaphore_mem>>, %arg15: memref<!tpu.dma_semaphore, #tpu.memory_space<semaphore_mem>>) attributes {dimension_semantics = [#tpu.dimension_semantics<core_parallel>, #tpu.dimension_semantics<subcore_parallel>], iteration_bounds = array<i64: 2, 16>, scalar_prefetch = 0 : i64, scratch_operands = 10 : i64, tpu.core_type = #tpu.core_type<sc_vector_subcore>, window_params = [{transform_indices = #map}, {transform_indices = #map1}, {transform_indices = #map1}, {transform_indices = #map1}]} {
    %mul3A = arith.constant 2 : i32
    %mul3A_0 = arith.muli %arg1, %mul3A : i32
    %add3A = arith.addi %mul3A_0, %arg0 : i32
    %mul3A_1 = arith.constant 256 : i32
    %mul3A_2 = arith.muli %add3A, %mul3A_1 : i32
    %add3A_3 = arith.constant 0 : i32
    %add3A_4 = arith.addi %add3A_3, %mul3A_2 : i32
    "tpu.region"() ({
      %run_scoped3A = tpu.sem_alloc : memref<!tpu.dma_semaphore, #tpu.memory_space<semaphore_mem>>
      %dma_start3A_679 = arith.constant 0 : i32
      %dma_start3A_680 = tpu.memref_slice %arg6[%dma_start3A_679] : memref<1024xi32, #tpu.memory_space<vmem>> -> memref<256xi32, #tpu.memory_space<vmem>>
      %dma_start3A_681 = tpu.memref_slice %arg2[%add3A_4] : memref<32768xi32, #tpu.memory_space<hbm>> -> memref<256xi32, #tpu.memory_space<hbm>>
      %dma_start3A_682 = arith.constant 0 : i32
      %dma_start3A_683 = tpu.memref_slice %arg6[%dma_start3A_682] : memref<1024xi32, #tpu.memory_space<vmem>> -> memref<256xi32, #tpu.memory_space<vmem>>
      %dma_start3A_684 = tpu.memref_slice %arg2[%add3A_4] : memref<32768xi32, #tpu.memory_space<hbm>> -> memref<256xi32, #tpu.memory_space<hbm>>
      tpu.enqueue_dma source(%dma_start3A_684 : memref<256xi32, #tpu.memory_space<hbm>>) target(%dma_start3A_683 : memref<256xi32, #tpu.memory_space<vmem>>) target_semaphore(%run_scoped3A : memref<!tpu.dma_semaphore, #tpu.memory_space<semaphore_mem>>)
      %dma_wait3A_685 = arith.constant 0 : i32
      %dma_wait3A_686 = tpu.memref_slice %arg6[%dma_wait3A_685] : memref<1024xi32, #tpu.memory_space<vmem>> -> memref<256xi32, #tpu.memory_space<vmem>>
      %dma_wait3A_687 = tpu.memref_slice %arg2[%add3A_4] : memref<32768xi32, #tpu.memory_space<hbm>> -> memref<256xi32, #tpu.memory_space<hbm>>
      %dma_wait3A_688 = arith.constant 0 : i32
      %dma_wait3A_689 = tpu.memref_slice %arg6[%dma_wait3A_688] : memref<1024xi32, #tpu.memory_space<vmem>> -> memref<256xi32, #tpu.memory_space<vmem>>
      %dma_wait3A_690 = tpu.memref_slice %arg2[%add3A_4] : memref<32768xi32, #tpu.memory_space<hbm>> -> memref<256xi32, #tpu.memory_space<hbm>>
      tpu.wait_dma2 semaphore(%run_scoped3A : memref<!tpu.dma_semaphore, #tpu.memory_space<semaphore_mem>>) src(%dma_wait3A_690 : memref<256xi32, #tpu.memory_space<hbm>>) dst(%dma_wait3A_689 : memref<256xi32, #tpu.memory_space<vmem>>)
      tpu.yield
    }) : () -> ()
    %add3A_5 = arith.constant 8192 : i32
    %add3A_6 = arith.addi %add3A_5, %mul3A_2 : i32
    "tpu.region"() ({
      %run_scoped3A = tpu.sem_alloc : memref<!tpu.dma_semaphore, #tpu.memory_space<semaphore_mem>>
      %dma_start3A_679 = arith.constant 256 : i32
      %dma_start3A_680 = tpu.memref_slice %arg6[%dma_start3A_679] : memref<1024xi32, #tpu.memory_space<vmem>> -> memref<256xi32, #tpu.memory_space<vmem>>
      %dma_start3A_681 = tpu.memref_slice %arg2[%add3A_6] : memref<32768xi32, #tpu.memory_space<hbm>> -> memref<256xi32, #tpu.memory_space<hbm>>
      %dma_start3A_682 = arith.constant 256 : i32
      %dma_start3A_683 = tpu.memref_slice %arg6[%dma_start3A_682] : memref<1024xi32, #tpu.memory_space<vmem>> -> memref<256xi32, #tpu.memory_space<vmem>>
      %dma_start3A_684 = tpu.memref_slice %arg2[%add3A_6] : memref<32768xi32, #tpu.memory_space<hbm>> -> memref<256xi32, #tpu.memory_space<hbm>>
      tpu.enqueue_dma source(%dma_start3A_684 : memref<256xi32, #tpu.memory_space<hbm>>) target(%dma_start3A_683 : memref<256xi32, #tpu.memory_space<vmem>>) target_semaphore(%run_scoped3A : memref<!tpu.dma_semaphore, #tpu.memory_space<semaphore_mem>>)
      %dma_wait3A_685 = arith.constant 256 : i32
      %dma_wait3A_686 = tpu.memref_slice %arg6[%dma_wait3A_685] : memref<1024xi32, #tpu.memory_space<vmem>> -> memref<256xi32, #tpu.memory_space<vmem>>
      %dma_wait3A_687 = tpu.memref_slice %arg2[%add3A_6] : memref<32768xi32, #tpu.memory_space<hbm>> -> memref<256xi32, #tpu.memory_space<hbm>>
      %dma_wait3A_688 = arith.constant 256 : i32
      %dma_wait3A_689 = tpu.memref_slice %arg6[%dma_wait3A_688] : memref<1024xi32, #tpu.memory_space<vmem>> -> memref<256xi32, #tpu.memory_space<vmem>>
      %dma_wait3A_690 = tpu.memref_slice %arg2[%add3A_6] : memref<32768xi32, #tpu.memory_space<hbm>> -> memref<256xi32, #tpu.memory_space<hbm>>
      tpu.wait_dma2 semaphore(%run_scoped3A : memref<!tpu.dma_semaphore, #tpu.memory_space<semaphore_mem>>) src(%dma_wait3A_690 : memref<256xi32, #tpu.memory_space<hbm>>) dst(%dma_wait3A_689 : memref<256xi32, #tpu.memory_space<vmem>>)
      tpu.yield
    }) : () -> ()
    %add3A_7 = arith.constant 16384 : i32
    %add3A_8 = arith.addi %add3A_7, %mul3A_2 : i32
    "tpu.region"() ({
      %run_scoped3A = tpu.sem_alloc : memref<!tpu.dma_semaphore, #tpu.memory_space<semaphore_mem>>
      %dma_start3A_679 = arith.constant 512 : i32
      %dma_start3A_680 = tpu.memref_slice %arg6[%dma_start3A_679] : memref<1024xi32, #tpu.memory_space<vmem>> -> memref<256xi32, #tpu.memory_space<vmem>>
      %dma_start3A_681 = tpu.memref_slice %arg2[%add3A_8] : memref<32768xi32, #tpu.memory_space<hbm>> -> memref<256xi32, #tpu.memory_space<hbm>>
      %dma_start3A_682 = arith.constant 512 : i32
      %dma_start3A_683 = tpu.memref_slice %arg6[%dma_start3A_682] : memref<1024xi32, #tpu.memory_space<vmem>> -> memref<256xi32, #tpu.memory_space<vmem>>
      %dma_start3A_684 = tpu.memref_slice %arg2[%add3A_8] : memref<32768xi32, #tpu.memory_space<hbm>> -> memref<256xi32, #tpu.memory_space<hbm>>
      tpu.enqueue_dma source(%dma_start3A_684 : memref<256xi32, #tpu.memory_space<hbm>>) target(%dma_start3A_683 : memref<256xi32, #tpu.memory_space<vmem>>) target_semaphore(%run_scoped3A : memref<!tpu.dma_semaphore, #tpu.memory_space<semaphore_mem>>)
      %dma_wait3A_685 = arith.constant 512 : i32
      %dma_wait3A_686 = tpu.memref_slice %arg6[%dma_wait3A_685] : memref<1024xi32, #tpu.memory_space<vmem>> -> memref<256xi32, #tpu.memory_space<vmem>>
      %dma_wait3A_687 = tpu.memref_slice %arg2[%add3A_8] : memref<32768xi32, #tpu.memory_space<hbm>> -> memref<256xi32, #tpu.memory_space<hbm>>
      %dma_wait3A_688 = arith.constant 512 : i32
      %dma_wait3A_689 = tpu.memref_slice %arg6[%dma_wait3A_688] : memref<1024xi32, #tpu.memory_space<vmem>> -> memref<256xi32, #tpu.memory_space<vmem>>
      %dma_wait3A_690 = tpu.memref_slice %arg2[%add3A_8] : memref<32768xi32, #tpu.memory_space<hbm>> -> memref<256xi32, #tpu.memory_space<hbm>>
      tpu.wait_dma2 semaphore(%run_scoped3A : memref<!tpu.dma_semaphore, #tpu.memory_space<semaphore_mem>>) src(%dma_wait3A_690 : memref<256xi32, #tpu.memory_space<hbm>>) dst(%dma_wait3A_689 : memref<256xi32, #tpu.memory_space<vmem>>)
      tpu.yield
    }) : () -> ()
    %add3A_9 = arith.constant 24576 : i32
    %add3A_10 = arith.addi %add3A_9, %mul3A_2 : i32
    "tpu.region"() ({
      %run_scoped3A = tpu.sem_alloc : memref<!tpu.dma_semaphore, #tpu.memory_space<semaphore_mem>>
      %dma_start3A_679 = arith.constant 768 : i32
      %dma_start3A_680 = tpu.memref_slice %arg6[%dma_start3A_679] : memref<1024xi32, #tpu.memory_space<vmem>> -> memref<256xi32, #tpu.memory_space<vmem>>
      %dma_start3A_681 = tpu.memref_slice %arg2[%add3A_10] : memref<32768xi32, #tpu.memory_space<hbm>> -> memref<256xi32, #tpu.memory_space<hbm>>
      %dma_start3A_682 = arith.constant 768 : i32
      %dma_start3A_683 = tpu.memref_slice %arg6[%dma_start3A_682] : memref<1024xi32, #tpu.memory_space<vmem>> -> memref<256xi32, #tpu.memory_space<vmem>>
      %dma_start3A_684 = tpu.memref_slice %arg2[%add3A_10] : memref<32768xi32, #tpu.memory_space<hbm>> -> memref<256xi32, #tpu.memory_space<hbm>>
      tpu.enqueue_dma source(%dma_start3A_684 : memref<256xi32, #tpu.memory_space<hbm>>) target(%dma_start3A_683 : memref<256xi32, #tpu.memory_space<vmem>>) target_semaphore(%run_scoped3A : memref<!tpu.dma_semaphore, #tpu.memory_space<semaphore_mem>>)
      %dma_wait3A_685 = arith.constant 768 : i32
      %dma_wait3A_686 = tpu.memref_slice %arg6[%dma_wait3A_685] : memref<1024xi32, #tpu.memory_space<vmem>> -> memref<256xi32, #tpu.memory_space<vmem>>
      %dma_wait3A_687 = tpu.memref_slice %arg2[%add3A_10] : memref<32768xi32, #tpu.memory_space<hbm>> -> memref<256xi32, #tpu.memory_space<hbm>>
      %dma_wait3A_688 = arith.constant 768 : i32
      %dma_wait3A_689 = tpu.memref_slice %arg6[%dma_wait3A_688] : memref<1024xi32, #tpu.memory_space<vmem>> -> memref<256xi32, #tpu.memory_space<vmem>>
      %dma_wait3A_690 = tpu.memref_slice %arg2[%add3A_10] : memref<32768xi32, #tpu.memory_space<hbm>> -> memref<256xi32, #tpu.memory_space<hbm>>
      tpu.wait_dma2 semaphore(%run_scoped3A : memref<!tpu.dma_semaphore, #tpu.memory_space<semaphore_mem>>) src(%dma_wait3A_690 : memref<256xi32, #tpu.memory_space<hbm>>) dst(%dma_wait3A_689 : memref<256xi32, #tpu.memory_space<vmem>>)
      tpu.yield
    }) : () -> ()
    %dma_start3A = arith.constant 0 : i32
    %dma_start3A_11 = arith.constant 0 : i32
    %dma_start3A_12 = arith.constant 0 : i32
    %dma_start3A_13 = tpu.memref_slice %arg7[%dma_start3A, %dma_start3A_11, %dma_start3A_12] : memref<3x32x1024xf32, #tpu.memory_space<vmem>> -> memref<1x8x1024xf32, #tpu.memory_space<vmem>>
    %dma_start3A_14 = tpu.memref_squeeze %dma_start3A_13 : memref<1x8x1024xf32, #tpu.memory_space<vmem>> -> memref<8x1024xf32, #tpu.memory_space<vmem>>
    %dma_start3A_15 = arith.constant 0 : i32
    %dma_start3A_16 = tpu.memref_slice %arg6[%dma_start3A_15] : memref<1024xi32, #tpu.memory_space<vmem>> -> memref<8xi32, #tpu.memory_space<vmem>>
    %dma_start3A_17 = arith.constant 0 : i32
    %dma_start3A_18 = arith.constant 0 : i32
    %dma_start3A_19 = tpu.memref_slice %arg3[%dma_start3A_17, %dma_start3A_18] : memref<100000x1024xf32, #tpu.memory_space<hbm>> -> memref<100000x1024xf32, #tpu.memory_space<hbm>>
    tpu.enqueue_indirect_dma source(%dma_start3A_19 : memref<100000x1024xf32, #tpu.memory_space<hbm>>) target(%dma_start3A_14 : memref<8x1024xf32, #tpu.memory_space<vmem>>) offsets(%dma_start3A_16 : memref<8xi32, #tpu.memory_space<vmem>>) semaphore(%arg9 : memref<!tpu.dma_semaphore, #tpu.memory_space<semaphore_mem>>)
    %dma_start3A_20 = arith.constant 0 : i32
    %dma_start3A_21 = arith.constant 8 : i32
    %dma_start3A_22 = arith.constant 0 : i32
    %dma_start3A_23 = tpu.memref_slice %arg7[%dma_start3A_20, %dma_start3A_21, %dma_start3A_22] : memref<3x32x1024xf32, #tpu.memory_space<vmem>> -> memref<1x8x1024xf32, #tpu.memory_space<vmem>>
    %dma_start3A_24 = tpu.memref_squeeze %dma_start3A_23 : memref<1x8x1024xf32, #tpu.memory_space<vmem>> -> memref<8x1024xf32, #tpu.memory_space<vmem>>
    %dma_start3A_25 = arith.constant 256 : i32
    %dma_start3A_26 = tpu.memref_slice %arg6[%dma_start3A_25] : memref<1024xi32, #tpu.memory_space<vmem>> -> memref<8xi32, #tpu.memory_space<vmem>>
    %dma_start3A_27 = arith.constant 0 : i32
    %dma_start3A_28 = arith.constant 0 : i32
    %dma_start3A_29 = tpu.memref_slice %arg3[%dma_start3A_27, %dma_start3A_28] : memref<100000x1024xf32, #tpu.memory_space<hbm>> -> memref<100000x1024xf32, #tpu.memory_space<hbm>>
    tpu.enqueue_indirect_dma source(%dma_start3A_29 : memref<100000x1024xf32, #tpu.memory_space<hbm>>) target(%dma_start3A_24 : memref<8x1024xf32, #tpu.memory_space<vmem>>) offsets(%dma_start3A_26 : memref<8xi32, #tpu.memory_space<vmem>>) semaphore(%arg9 : memref<!tpu.dma_semaphore, #tpu.memory_space<semaphore_mem>>)
    %dma_start3A_30 = arith.constant 0 : i32
    %dma_start3A_31 = arith.constant 16 : i32
    %dma_start3A_32 = arith.constant 0 : i32
    %dma_start3A_33 = tpu.memref_slice %arg7[%dma_start3A_30, %dma_start3A_31, %dma_start3A_32] : memref<3x32x1024xf32, #tpu.memory_space<vmem>> -> memref<1x8x1024xf32, #tpu.memory_space<vmem>>
    %dma_start3A_34 = tpu.memref_squeeze %dma_start3A_33 : memref<1x8x1024xf32, #tpu.memory_space<vmem>> -> memref<8x1024xf32, #tpu.memory_space<vmem>>
    %dma_start3A_35 = arith.constant 512 : i32
    %dma_start3A_36 = tpu.memref_slice %arg6[%dma_start3A_35] : memref<1024xi32, #tpu.memory_space<vmem>> -> memref<8xi32, #tpu.memory_space<vmem>>
    %dma_start3A_37 = arith.constant 0 : i32
    %dma_start3A_38 = arith.constant 0 : i32
    %dma_start3A_39 = tpu.memref_slice %arg3[%dma_start3A_37, %dma_start3A_38] : memref<100000x1024xf32, #tpu.memory_space<hbm>> -> memref<100000x1024xf32, #tpu.memory_space<hbm>>
    tpu.enqueue_indirect_dma source(%dma_start3A_39 : memref<100000x1024xf32, #tpu.memory_space<hbm>>) target(%dma_start3A_34 : memref<8x1024xf32, #tpu.memory_space<vmem>>) offsets(%dma_start3A_36 : memref<8xi32, #tpu.memory_space<vmem>>) semaphore(%arg9 : memref<!tpu.dma_semaphore, #tpu.memory_space<semaphore_mem>>)
    %dma_start3A_40 = arith.constant 0 : i32
    %dma_start3A_41 = arith.constant 24 : i32
    %dma_start3A_42 = arith.constant 0 : i32
    %dma_start3A_43 = tpu.memref_slice %arg7[%dma_start3A_40, %dma_start3A_41, %dma_start3A_42] : memref<3x32x1024xf32, #tpu.memory_space<vmem>> -> memref<1x8x1024xf32, #tpu.memory_space<vmem>>
    %dma_start3A_44 = tpu.memref_squeeze %dma_start3A_43 : memref<1x8x1024xf32, #tpu.memory_space<vmem>> -> memref<8x1024xf32, #tpu.memory_space<vmem>>
    %dma_start3A_45 = arith.constant 768 : i32
    %dma_start3A_46 = tpu.memref_slice %arg6[%dma_start3A_45] : memref<1024xi32, #tpu.memory_space<vmem>> -> memref<8xi32, #tpu.memory_space<vmem>>
    %dma_start3A_47 = arith.constant 0 : i32
    %dma_start3A_48 = arith.constant 0 : i32
    %dma_start3A_49 = tpu.memref_slice %arg3[%dma_start3A_47, %dma_start3A_48] : memref<100000x1024xf32, #tpu.memory_space<hbm>> -> memref<100000x1024xf32, #tpu.memory_space<hbm>>
    tpu.enqueue_indirect_dma source(%dma_start3A_49 : memref<100000x1024xf32, #tpu.memory_space<hbm>>) target(%dma_start3A_44 : memref<8x1024xf32, #tpu.memory_space<vmem>>) offsets(%dma_start3A_46 : memref<8xi32, #tpu.memory_space<vmem>>) semaphore(%arg9 : memref<!tpu.dma_semaphore, #tpu.memory_space<semaphore_mem>>)
    %dma_start3A_50 = arith.constant 1 : i32
    %dma_start3A_51 = arith.constant 0 : i32
    %dma_start3A_52 = arith.constant 0 : i32
    %dma_start3A_53 = tpu.memref_slice %arg7[%dma_start3A_50, %dma_start3A_51, %dma_start3A_52] : memref<3x32x1024xf32, #tpu.memory_space<vmem>> -> memref<1x8x1024xf32, #tpu.memory_space<vmem>>
    %dma_start3A_54 = tpu.memref_squeeze %dma_start3A_53 : memref<1x8x1024xf32, #tpu.memory_space<vmem>> -> memref<8x1024xf32, #tpu.memory_space<vmem>>
    %dma_start3A_55 = arith.constant 8 : i32
    %dma_start3A_56 = tpu.memref_slice %arg6[%dma_start3A_55] : memref<1024xi32, #tpu.memory_space<vmem>> -> memref<8xi32, #tpu.memory_space<vmem>>
    %dma_start3A_57 = arith.constant 0 : i32
    %dma_start3A_58 = arith.constant 0 : i32
    %dma_start3A_59 = tpu.memref_slice %arg3[%dma_start3A_57, %dma_start3A_58] : memref<100000x1024xf32, #tpu.memory_space<hbm>> -> memref<100000x1024xf32, #tpu.memory_space<hbm>>
    tpu.enqueue_indirect_dma source(%dma_start3A_59 : memref<100000x1024xf32, #tpu.memory_space<hbm>>) target(%dma_start3A_54 : memref<8x1024xf32, #tpu.memory_space<vmem>>) offsets(%dma_start3A_56 : memref<8xi32, #tpu.memory_space<vmem>>) semaphore(%arg10 : memref<!tpu.dma_semaphore, #tpu.memory_space<semaphore_mem>>)
    %dma_start3A_60 = arith.constant 1 : i32
    %dma_start3A_61 = arith.constant 8 : i32
    %dma_start3A_62 = arith.constant 0 : i32
    %dma_start3A_63 = tpu.memref_slice %arg7[%dma_start3A_60, %dma_start3A_61, %dma_start3A_62] : memref<3x32x1024xf32, #tpu.memory_space<vmem>> -> memref<1x8x1024xf32, #tpu.memory_space<vmem>>
    %dma_start3A_64 = tpu.memref_squeeze %dma_start3A_63 : memref<1x8x1024xf32, #tpu.memory_space<vmem>> -> memref<8x1024xf32, #tpu.memory_space<vmem>>
    %dma_start3A_65 = arith.constant 264 : i32
    %dma_start3A_66 = tpu.memref_slice %arg6[%dma_start3A_65] : memref<1024xi32, #tpu.memory_space<vmem>> -> memref<8xi32, #tpu.memory_space<vmem>>
    %dma_start3A_67 = arith.constant 0 : i32
    %dma_start3A_68 = arith.constant 0 : i32
    %dma_start3A_69 = tpu.memref_slice %arg3[%dma_start3A_67, %dma_start3A_68] : memref<100000x1024xf32, #tpu.memory_space<hbm>> -> memref<100000x1024xf32, #tpu.memory_space<hbm>>
    tpu.enqueue_indirect_dma source(%dma_start3A_69 : memref<100000x1024xf32, #tpu.memory_space<hbm>>) target(%dma_start3A_64 : memref<8x1024xf32, #tpu.memory_space<vmem>>) offsets(%dma_start3A_66 : memref<8xi32, #tpu.memory_space<vmem>>) semaphore(%arg10 : memref<!tpu.dma_semaphore, #tpu.memory_space<semaphore_mem>>)
    %dma_start3A_70 = arith.constant 1 : i32
    %dma_start3A_71 = arith.constant 16 : i32
    %dma_start3A_72 = arith.constant 0 : i32
    %dma_start3A_73 = tpu.memref_slice %arg7[%dma_start3A_70, %dma_start3A_71, %dma_start3A_72] : memref<3x32x1024xf32, #tpu.memory_space<vmem>> -> memref<1x8x1024xf32, #tpu.memory_space<vmem>>
    %dma_start3A_74 = tpu.memref_squeeze %dma_start3A_73 : memref<1x8x1024xf32, #tpu.memory_space<vmem>> -> memref<8x1024xf32, #tpu.memory_space<vmem>>
    %dma_start3A_75 = arith.constant 520 : i32
    %dma_start3A_76 = tpu.memref_slice %arg6[%dma_start3A_75] : memref<1024xi32, #tpu.memory_space<vmem>> -> memref<8xi32, #tpu.memory_space<vmem>>
    %dma_start3A_77 = arith.constant 0 : i32
    %dma_start3A_78 = arith.constant 0 : i32
    %dma_start3A_79 = tpu.memref_slice %arg3[%dma_start3A_77, %dma_start3A_78] : memref<100000x1024xf32, #tpu.memory_space<hbm>> -> memref<100000x1024xf32, #tpu.memory_space<hbm>>
    tpu.enqueue_indirect_dma source(%dma_start3A_79 : memref<100000x1024xf32, #tpu.memory_space<hbm>>) target(%dma_start3A_74 : memref<8x1024xf32, #tpu.memory_space<vmem>>) offsets(%dma_start3A_76 : memref<8xi32, #tpu.memory_space<vmem>>) semaphore(%arg10 : memref<!tpu.dma_semaphore, #tpu.memory_space<semaphore_mem>>)
    %dma_start3A_80 = arith.constant 1 : i32
    %dma_start3A_81 = arith.constant 24 : i32
    %dma_start3A_82 = arith.constant 0 : i32
    %dma_start3A_83 = tpu.memref_slice %arg7[%dma_start3A_80, %dma_start3A_81, %dma_start3A_82] : memref<3x32x1024xf32, #tpu.memory_space<vmem>> -> memref<1x8x1024xf32, #tpu.memory_space<vmem>>
    %dma_start3A_84 = tpu.memref_squeeze %dma_start3A_83 : memref<1x8x1024xf32, #tpu.memory_space<vmem>> -> memref<8x1024xf32, #tpu.memory_space<vmem>>
    %dma_start3A_85 = arith.constant 776 : i32
    %dma_start3A_86 = tpu.memref_slice %arg6[%dma_start3A_85] : memref<1024xi32, #tpu.memory_space<vmem>> -> memref<8xi32, #tpu.memory_space<vmem>>
    %dma_start3A_87 = arith.constant 0 : i32
    %dma_start3A_88 = arith.constant 0 : i32
    %dma_start3A_89 = tpu.memref_slice %arg3[%dma_start3A_87, %dma_start3A_88] : memref<100000x1024xf32, #tpu.memory_space<hbm>> -> memref<100000x1024xf32, #tpu.memory_space<hbm>>
    tpu.enqueue_indirect_dma source(%dma_start3A_89 : memref<100000x1024xf32, #tpu.memory_space<hbm>>) target(%dma_start3A_84 : memref<8x1024xf32, #tpu.memory_space<vmem>>) offsets(%dma_start3A_86 : memref<8xi32, #tpu.memory_space<vmem>>) semaphore(%arg10 : memref<!tpu.dma_semaphore, #tpu.memory_space<semaphore_mem>>)
    %dma_wait3A = arith.constant 0 : i32
    %dma_wait3A_90 = arith.constant 0 : i32
    %dma_wait3A_91 = arith.constant 0 : i32
    %dma_wait3A_92 = tpu.memref_slice %arg7[%dma_wait3A, %dma_wait3A_90, %dma_wait3A_91] : memref<3x32x1024xf32, #tpu.memory_space<vmem>> -> memref<1x32x1024xf32, #tpu.memory_space<vmem>>
    %dma_wait3A_93 = tpu.memref_squeeze %dma_wait3A_92 : memref<1x32x1024xf32, #tpu.memory_space<vmem>> -> memref<32x1024xf32, #tpu.memory_space<vmem>>
    %dma_wait3A_94 = arith.constant 0 : i32
    %dma_wait3A_95 = tpu.memref_slice %arg6[%dma_wait3A_94] : memref<1024xi32, #tpu.memory_space<vmem>> -> memref<32xi32, #tpu.memory_space<vmem>>
    %dma_wait3A_96 = arith.constant 0 : i32
    %dma_wait3A_97 = arith.constant 0 : i32
    %dma_wait3A_98 = tpu.memref_slice %arg3[%dma_wait3A_96, %dma_wait3A_97] : memref<100000x1024xf32, #tpu.memory_space<hbm>> -> memref<100000x1024xf32, #tpu.memory_space<hbm>>
    tpu.wait_indirect_dma semaphore(%arg9 : memref<!tpu.dma_semaphore, #tpu.memory_space<semaphore_mem>>) src(%dma_wait3A_98 : memref<100000x1024xf32, #tpu.memory_space<hbm>>) dst(%dma_wait3A_93 : memref<32x1024xf32, #tpu.memory_space<vmem>>)
    %add3A_99 = arith.constant 0 : i32
    %add3A_100 = arith.addi %add3A_99, %mul3A_2 : i32
    %add3A_101 = arith.constant 0 : i32
    %add3A_102 = arith.addi %add3A_100, %add3A_101 : i32
    %dma_start3A_103 = arith.constant 0 : i32
    %dma_start3A_104 = arith.constant 0 : i32
    %dma_start3A_105 = arith.constant 0 : i32
    %dma_start3A_106 = tpu.memref_slice %arg7[%dma_start3A_103, %dma_start3A_104, %dma_start3A_105] : memref<3x32x1024xf32, #tpu.memory_space<vmem>> -> memref<1x8x1024xf32, #tpu.memory_space<vmem>>
    %dma_start3A_107 = tpu.memref_squeeze %dma_start3A_106 : memref<1x8x1024xf32, #tpu.memory_space<vmem>> -> memref<8x1024xf32, #tpu.memory_space<vmem>>
    %dma_start3A_108 = arith.constant 0 : i32
    %dma_start3A_109 = tpu.memref_slice %arg5[%add3A_102, %dma_start3A_108] : memref<32768x1024xf32, #tpu.memory_space<hbm>> -> memref<8x1024xf32, #tpu.memory_space<hbm>>
    %dma_start3A_110 = arith.constant 0 : i32
    %dma_start3A_111 = tpu.memref_slice %arg5[%add3A_102, %dma_start3A_110] : memref<32768x1024xf32, #tpu.memory_space<hbm>> -> memref<8x1024xf32, #tpu.memory_space<hbm>>
    %dma_start3A_112 = arith.constant 0 : i32
    %dma_start3A_113 = arith.constant 0 : i32
    %dma_start3A_114 = tpu.memref_slice %arg7[%dma_start3A_103, %dma_start3A_112, %dma_start3A_113] : memref<3x32x1024xf32, #tpu.memory_space<vmem>> -> memref<1x8x1024xf32, #tpu.memory_space<vmem>>
    %dma_start3A_115 = tpu.memref_squeeze %dma_start3A_114 : memref<1x8x1024xf32, #tpu.memory_space<vmem>> -> memref<8x1024xf32, #tpu.memory_space<vmem>>
    tpu.enqueue_dma source(%dma_start3A_115 : memref<8x1024xf32, #tpu.memory_space<vmem>>) target(%dma_start3A_111 : memref<8x1024xf32, #tpu.memory_space<hbm>>) target_semaphore(%arg12 : memref<!tpu.dma_semaphore, #tpu.memory_space<semaphore_mem>>)
    %add3A_116 = arith.constant 8192 : i32
    %add3A_117 = arith.addi %add3A_116, %mul3A_2 : i32
    %add3A_118 = arith.constant 0 : i32
    %add3A_119 = arith.addi %add3A_117, %add3A_118 : i32
    %dma_start3A_120 = arith.constant 0 : i32
    %dma_start3A_121 = arith.constant 8 : i32
    %dma_start3A_122 = arith.constant 0 : i32
    %dma_start3A_123 = tpu.memref_slice %arg7[%dma_start3A_120, %dma_start3A_121, %dma_start3A_122] : memref<3x32x1024xf32, #tpu.memory_space<vmem>> -> memref<1x8x1024xf32, #tpu.memory_space<vmem>>
    %dma_start3A_124 = tpu.memref_squeeze %dma_start3A_123 : memref<1x8x1024xf32, #tpu.memory_space<vmem>> -> memref<8x1024xf32, #tpu.memory_space<vmem>>
    %dma_start3A_125 = arith.constant 0 : i32
    %dma_start3A_126 = tpu.memref_slice %arg5[%add3A_119, %dma_start3A_125] : memref<32768x1024xf32, #tpu.memory_space<hbm>> -> memref<8x1024xf32, #tpu.memory_space<hbm>>
    %dma_start3A_127 = arith.constant 0 : i32
    %dma_start3A_128 = tpu.memref_slice %arg5[%add3A_119, %dma_start3A_127] : memref<32768x1024xf32, #tpu.memory_space<hbm>> -> memref<8x1024xf32, #tpu.memory_space<hbm>>
    %dma_start3A_129 = arith.constant 8 : i32
    %dma_start3A_130 = arith.constant 0 : i32
    %dma_start3A_131 = tpu.memref_slice %arg7[%dma_start3A_120, %dma_start3A_129, %dma_start3A_130] : memref<3x32x1024xf32, #tpu.memory_space<vmem>> -> memref<1x8x1024xf32, #tpu.memory_space<vmem>>
    %dma_start3A_132 = tpu.memref_squeeze %dma_start3A_131 : memref<1x8x1024xf32, #tpu.memory_space<vmem>> -> memref<8x1024xf32, #tpu.memory_space<vmem>>
    tpu.enqueue_dma source(%dma_start3A_132 : memref<8x1024xf32, #tpu.memory_space<vmem>>) target(%dma_start3A_128 : memref<8x1024xf32, #tpu.memory_space<hbm>>) target_semaphore(%arg12 : memref<!tpu.dma_semaphore, #tpu.memory_space<semaphore_mem>>)
    %add3A_133 = arith.constant 16384 : i32
    %add3A_134 = arith.addi %add3A_133, %mul3A_2 : i32
    %add3A_135 = arith.constant 0 : i32
    %add3A_136 = arith.addi %add3A_134, %add3A_135 : i32
    %dma_start3A_137 = arith.constant 0 : i32
    %dma_start3A_138 = arith.constant 16 : i32
    %dma_start3A_139 = arith.constant 0 : i32
    %dma_start3A_140 = tpu.memref_slice %arg7[%dma_start3A_137, %dma_start3A_138, %dma_start3A_139] : memref<3x32x1024xf32, #tpu.memory_space<vmem>> -> memref<1x8x1024xf32, #tpu.memory_space<vmem>>
    %dma_start3A_141 = tpu.memref_squeeze %dma_start3A_140 : memref<1x8x1024xf32, #tpu.memory_space<vmem>> -> memref<8x1024xf32, #tpu.memory_space<vmem>>
    %dma_start3A_142 = arith.constant 0 : i32
    %dma_start3A_143 = tpu.memref_slice %arg5[%add3A_136, %dma_start3A_142] : memref<32768x1024xf32, #tpu.memory_space<hbm>> -> memref<8x1024xf32, #tpu.memory_space<hbm>>
    %dma_start3A_144 = arith.constant 0 : i32
    %dma_start3A_145 = tpu.memref_slice %arg5[%add3A_136, %dma_start3A_144] : memref<32768x1024xf32, #tpu.memory_space<hbm>> -> memref<8x1024xf32, #tpu.memory_space<hbm>>
    %dma_start3A_146 = arith.constant 16 : i32
    %dma_start3A_147 = arith.constant 0 : i32
    %dma_start3A_148 = tpu.memref_slice %arg7[%dma_start3A_137, %dma_start3A_146, %dma_start3A_147] : memref<3x32x1024xf32, #tpu.memory_space<vmem>> -> memref<1x8x1024xf32, #tpu.memory_space<vmem>>
    %dma_start3A_149 = tpu.memref_squeeze %dma_start3A_148 : memref<1x8x1024xf32, #tpu.memory_space<vmem>> -> memref<8x1024xf32, #tpu.memory_space<vmem>>
    tpu.enqueue_dma source(%dma_start3A_149 : memref<8x1024xf32, #tpu.memory_space<vmem>>) target(%dma_start3A_145 : memref<8x1024xf32, #tpu.memory_space<hbm>>) target_semaphore(%arg12 : memref<!tpu.dma_semaphore, #tpu.memory_space<semaphore_mem>>)
    %add3A_150 = arith.constant 24576 : i32
    %add3A_151 = arith.addi %add3A_150, %mul3A_2 : i32
    %add3A_152 = arith.constant 0 : i32
    %add3A_153 = arith.addi %add3A_151, %add3A_152 : i32
    %dma_start3A_154 = arith.constant 0 : i32
    %dma_start3A_155 = arith.constant 24 : i32
    %dma_start3A_156 = arith.constant 0 : i32
    %dma_start3A_157 = tpu.memref_slice %arg7[%dma_start3A_154, %dma_start3A_155, %dma_start3A_156] : memref<3x32x1024xf32, #tpu.memory_space<vmem>> -> memref<1x8x1024xf32, #tpu.memory_space<vmem>>
    %dma_start3A_158 = tpu.memref_squeeze %dma_start3A_157 : memref<1x8x1024xf32, #tpu.memory_space<vmem>> -> memref<8x1024xf32, #tpu.memory_space<vmem>>
    %dma_start3A_159 = arith.constant 0 : i32
    %dma_start3A_160 = tpu.memref_slice %arg5[%add3A_153, %dma_start3A_159] : memref<32768x1024xf32, #tpu.memory_space<hbm>> -> memref<8x1024xf32, #tpu.memory_space<hbm>>
    %dma_start3A_161 = arith.constant 0 : i32
    %dma_start3A_162 = tpu.memref_slice %arg5[%add3A_153, %dma_start3A_161] : memref<32768x1024xf32, #tpu.memory_space<hbm>> -> memref<8x1024xf32, #tpu.memory_space<hbm>>
    %dma_start3A_163 = arith.constant 24 : i32
    %dma_start3A_164 = arith.constant 0 : i32
    %dma_start3A_165 = tpu.memref_slice %arg7[%dma_start3A_154, %dma_start3A_163, %dma_start3A_164] : memref<3x32x1024xf32, #tpu.memory_space<vmem>> -> memref<1x8x1024xf32, #tpu.memory_space<vmem>>
    %dma_start3A_166 = tpu.memref_squeeze %dma_start3A_165 : memref<1x8x1024xf32, #tpu.memory_space<vmem>> -> memref<8x1024xf32, #tpu.memory_space<vmem>>
    tpu.enqueue_dma source(%dma_start3A_166 : memref<8x1024xf32, #tpu.memory_space<vmem>>) target(%dma_start3A_162 : memref<8x1024xf32, #tpu.memory_space<hbm>>) target_semaphore(%arg12 : memref<!tpu.dma_semaphore, #tpu.memory_space<semaphore_mem>>)
    %dma_start3A_167 = arith.constant 2 : i32
    %dma_start3A_168 = arith.constant 0 : i32
    %dma_start3A_169 = arith.constant 0 : i32
    %dma_start3A_170 = tpu.memref_slice %arg7[%dma_start3A_167, %dma_start3A_168, %dma_start3A_169] : memref<3x32x1024xf32, #tpu.memory_space<vmem>> -> memref<1x8x1024xf32, #tpu.memory_space<vmem>>
    %dma_start3A_171 = tpu.memref_squeeze %dma_start3A_170 : memref<1x8x1024xf32, #tpu.memory_space<vmem>> -> memref<8x1024xf32, #tpu.memory_space<vmem>>
    %dma_start3A_172 = arith.constant 16 : i32
    %dma_start3A_173 = tpu.memref_slice %arg6[%dma_start3A_172] : memref<1024xi32, #tpu.memory_space<vmem>> -> memref<8xi32, #tpu.memory_space<vmem>>
    %dma_start3A_174 = arith.constant 0 : i32
    %dma_start3A_175 = arith.constant 0 : i32
    %dma_start3A_176 = tpu.memref_slice %arg3[%dma_start3A_174, %dma_start3A_175] : memref<100000x1024xf32, #tpu.memory_space<hbm>> -> memref<100000x1024xf32, #tpu.memory_space<hbm>>
    tpu.enqueue_indirect_dma source(%dma_start3A_176 : memref<100000x1024xf32, #tpu.memory_space<hbm>>) target(%dma_start3A_171 : memref<8x1024xf32, #tpu.memory_space<vmem>>) offsets(%dma_start3A_173 : memref<8xi32, #tpu.memory_space<vmem>>) semaphore(%arg11 : memref<!tpu.dma_semaphore, #tpu.memory_space<semaphore_mem>>)
    %dma_start3A_177 = arith.constant 2 : i32
    %dma_start3A_178 = arith.constant 8 : i32
    %dma_start3A_179 = arith.constant 0 : i32
    %dma_start3A_180 = tpu.memref_slice %arg7[%dma_start3A_177, %dma_start3A_178, %dma_start3A_179] : memref<3x32x1024xf32, #tpu.memory_space<vmem>> -> memref<1x8x1024xf32, #tpu.memory_space<vmem>>
    %dma_start3A_181 = tpu.memref_squeeze %dma_start3A_180 : memref<1x8x1024xf32, #tpu.memory_space<vmem>> -> memref<8x1024xf32, #tpu.memory_space<vmem>>
    %dma_start3A_182 = arith.constant 272 : i32
    %dma_start3A_183 = tpu.memref_slice %arg6[%dma_start3A_182] : memref<1024xi32, #tpu.memory_space<vmem>> -> memref<8xi32, #tpu.memory_space<vmem>>
    %dma_start3A_184 = arith.constant 0 : i32
    %dma_start3A_185 = arith.constant 0 : i32
    %dma_start3A_186 = tpu.memref_slice %arg3[%dma_start3A_184, %dma_start3A_185] : memref<100000x1024xf32, #tpu.memory_space<hbm>> -> memref<100000x1024xf32, #tpu.memory_space<hbm>>
    tpu.enqueue_indirect_dma source(%dma_start3A_186 : memref<100000x1024xf32, #tpu.memory_space<hbm>>) target(%dma_start3A_181 : memref<8x1024xf32, #tpu.memory_space<vmem>>) offsets(%dma_start3A_183 : memref<8xi32, #tpu.memory_space<vmem>>) semaphore(%arg11 : memref<!tpu.dma_semaphore, #tpu.memory_space<semaphore_mem>>)
    %dma_start3A_187 = arith.constant 2 : i32
    %dma_start3A_188 = arith.constant 16 : i32
    %dma_start3A_189 = arith.constant 0 : i32
    %dma_start3A_190 = tpu.memref_slice %arg7[%dma_start3A_187, %dma_start3A_188, %dma_start3A_189] : memref<3x32x1024xf32, #tpu.memory_space<vmem>> -> memref<1x8x1024xf32, #tpu.memory_space<vmem>>
    %dma_start3A_191 = tpu.memref_squeeze %dma_start3A_190 : memref<1x8x1024xf32, #tpu.memory_space<vmem>> -> memref<8x1024xf32, #tpu.memory_space<vmem>>
    %dma_start3A_192 = arith.constant 528 : i32
    %dma_start3A_193 = tpu.memref_slice %arg6[%dma_start3A_192] : memref<1024xi32, #tpu.memory_space<vmem>> -> memref<8xi32, #tpu.memory_space<vmem>>
    %dma_start3A_194 = arith.constant 0 : i32
    %dma_start3A_195 = arith.constant 0 : i32
    %dma_start3A_196 = tpu.memref_slice %arg3[%dma_start3A_194, %dma_start3A_195] : memref<100000x1024xf32, #tpu.memory_space<hbm>> -> memref<100000x1024xf32, #tpu.memory_space<hbm>>
    tpu.enqueue_indirect_dma source(%dma_start3A_196 : memref<100000x1024xf32, #tpu.memory_space<hbm>>) target(%dma_start3A_191 : memref<8x1024xf32, #tpu.memory_space<vmem>>) offsets(%dma_start3A_193 : memref<8xi32, #tpu.memory_space<vmem>>) semaphore(%arg11 : memref<!tpu.dma_semaphore, #tpu.memory_space<semaphore_mem>>)
    %dma_start3A_197 = arith.constant 2 : i32
    %dma_start3A_198 = arith.constant 24 : i32
    %dma_start3A_199 = arith.constant 0 : i32
    %dma_start3A_200 = tpu.memref_slice %arg7[%dma_start3A_197, %dma_start3A_198, %dma_start3A_199] : memref<3x32x1024xf32, #tpu.memory_space<vmem>> -> memref<1x8x1024xf32, #tpu.memory_space<vmem>>
    %dma_start3A_201 = tpu.memref_squeeze %dma_start3A_200 : memref<1x8x1024xf32, #tpu.memory_space<vmem>> -> memref<8x1024xf32, #tpu.memory_space<vmem>>
    %dma_start3A_202 = arith.constant 784 : i32
    %dma_start3A_203 = tpu.memref_slice %arg6[%dma_start3A_202] : memref<1024xi32, #tpu.memory_space<vmem>> -> memref<8xi32, #tpu.memory_space<vmem>>
    %dma_start3A_204 = arith.constant 0 : i32
    %dma_start3A_205 = arith.constant 0 : i32
    %dma_start3A_206 = tpu.memref_slice %arg3[%dma_start3A_204, %dma_start3A_205] : memref<100000x1024xf32, #tpu.memory_space<hbm>> -> memref<100000x1024xf32, #tpu.memory_space<hbm>>
    tpu.enqueue_indirect_dma source(%dma_start3A_206 : memref<100000x1024xf32, #tpu.memory_space<hbm>>) target(%dma_start3A_201 : memref<8x1024xf32, #tpu.memory_space<vmem>>) offsets(%dma_start3A_203 : memref<8xi32, #tpu.memory_space<vmem>>) semaphore(%arg11 : memref<!tpu.dma_semaphore, #tpu.memory_space<semaphore_mem>>)
    %dma_wait3A_207 = arith.constant 1 : i32
    %dma_wait3A_208 = arith.constant 0 : i32
    %dma_wait3A_209 = arith.constant 0 : i32
    %dma_wait3A_210 = tpu.memref_slice %arg7[%dma_wait3A_207, %dma_wait3A_208, %dma_wait3A_209] : memref<3x32x1024xf32, #tpu.memory_space<vmem>> -> memref<1x32x1024xf32, #tpu.memory_space<vmem>>
    %dma_wait3A_211 = tpu.memref_squeeze %dma_wait3A_210 : memref<1x32x1024xf32, #tpu.memory_space<vmem>> -> memref<32x1024xf32, #tpu.memory_space<vmem>>
    %dma_wait3A_212 = arith.constant 0 : i32
    %dma_wait3A_213 = tpu.memref_slice %arg6[%dma_wait3A_212] : memref<1024xi32, #tpu.memory_space<vmem>> -> memref<32xi32, #tpu.memory_space<vmem>>
    %dma_wait3A_214 = arith.constant 0 : i32
    %dma_wait3A_215 = arith.constant 0 : i32
    %dma_wait3A_216 = tpu.memref_slice %arg3[%dma_wait3A_214, %dma_wait3A_215] : memref<100000x1024xf32, #tpu.memory_space<hbm>> -> memref<100000x1024xf32, #tpu.memory_space<hbm>>
    tpu.wait_indirect_dma semaphore(%arg10 : memref<!tpu.dma_semaphore, #tpu.memory_space<semaphore_mem>>) src(%dma_wait3A_216 : memref<100000x1024xf32, #tpu.memory_space<hbm>>) dst(%dma_wait3A_211 : memref<32x1024xf32, #tpu.memory_space<vmem>>)
    %add3A_217 = arith.constant 0 : i32
    %add3A_218 = arith.addi %add3A_217, %mul3A_2 : i32
    %add3A_219 = arith.constant 8 : i32
    %add3A_220 = arith.addi %add3A_218, %add3A_219 : i32
    %dma_start3A_221 = arith.constant 1 : i32
    %dma_start3A_222 = arith.constant 0 : i32
    %dma_start3A_223 = arith.constant 0 : i32
    %dma_start3A_224 = tpu.memref_slice %arg7[%dma_start3A_221, %dma_start3A_222, %dma_start3A_223] : memref<3x32x1024xf32, #tpu.memory_space<vmem>> -> memref<1x8x1024xf32, #tpu.memory_space<vmem>>
    %dma_start3A_225 = tpu.memref_squeeze %dma_start3A_224 : memref<1x8x1024xf32, #tpu.memory_space<vmem>> -> memref<8x1024xf32, #tpu.memory_space<vmem>>
    %dma_start3A_226 = arith.constant 0 : i32
    %dma_start3A_227 = tpu.memref_slice %arg5[%add3A_220, %dma_start3A_226] : memref<32768x1024xf32, #tpu.memory_space<hbm>> -> memref<8x1024xf32, #tpu.memory_space<hbm>>
    %dma_start3A_228 = arith.constant 0 : i32
    %dma_start3A_229 = tpu.memref_slice %arg5[%add3A_220, %dma_start3A_228] : memref<32768x1024xf32, #tpu.memory_space<hbm>> -> memref<8x1024xf32, #tpu.memory_space<hbm>>
    %dma_start3A_230 = arith.constant 0 : i32
    %dma_start3A_231 = arith.constant 0 : i32
    %dma_start3A_232 = tpu.memref_slice %arg7[%dma_start3A_221, %dma_start3A_230, %dma_start3A_231] : memref<3x32x1024xf32, #tpu.memory_space<vmem>> -> memref<1x8x1024xf32, #tpu.memory_space<vmem>>
    %dma_start3A_233 = tpu.memref_squeeze %dma_start3A_232 : memref<1x8x1024xf32, #tpu.memory_space<vmem>> -> memref<8x1024xf32, #tpu.memory_space<vmem>>
    tpu.enqueue_dma source(%dma_start3A_233 : memref<8x1024xf32, #tpu.memory_space<vmem>>) target(%dma_start3A_229 : memref<8x1024xf32, #tpu.memory_space<hbm>>) target_semaphore(%arg13 : memref<!tpu.dma_semaphore, #tpu.memory_space<semaphore_mem>>)
    %add3A_234 = arith.constant 8192 : i32
    %add3A_235 = arith.addi %add3A_234, %mul3A_2 : i32
    %add3A_236 = arith.constant 8 : i32
    %add3A_237 = arith.addi %add3A_235, %add3A_236 : i32
    %dma_start3A_238 = arith.constant 1 : i32
    %dma_start3A_239 = arith.constant 8 : i32
    %dma_start3A_240 = arith.constant 0 : i32
    %dma_start3A_241 = tpu.memref_slice %arg7[%dma_start3A_238, %dma_start3A_239, %dma_start3A_240] : memref<3x32x1024xf32, #tpu.memory_space<vmem>> -> memref<1x8x1024xf32, #tpu.memory_space<vmem>>
    %dma_start3A_242 = tpu.memref_squeeze %dma_start3A_241 : memref<1x8x1024xf32, #tpu.memory_space<vmem>> -> memref<8x1024xf32, #tpu.memory_space<vmem>>
    %dma_start3A_243 = arith.constant 0 : i32
    %dma_start3A_244 = tpu.memref_slice %arg5[%add3A_237, %dma_start3A_243] : memref<32768x1024xf32, #tpu.memory_space<hbm>> -> memref<8x1024xf32, #tpu.memory_space<hbm>>
    %dma_start3A_245 = arith.constant 0 : i32
    %dma_start3A_246 = tpu.memref_slice %arg5[%add3A_237, %dma_start3A_245] : memref<32768x1024xf32, #tpu.memory_space<hbm>> -> memref<8x1024xf32, #tpu.memory_space<hbm>>
    %dma_start3A_247 = arith.constant 8 : i32
    %dma_start3A_248 = arith.constant 0 : i32
    %dma_start3A_249 = tpu.memref_slice %arg7[%dma_start3A_238, %dma_start3A_247, %dma_start3A_248] : memref<3x32x1024xf32, #tpu.memory_space<vmem>> -> memref<1x8x1024xf32, #tpu.memory_space<vmem>>
    %dma_start3A_250 = tpu.memref_squeeze %dma_start3A_249 : memref<1x8x1024xf32, #tpu.memory_space<vmem>> -> memref<8x1024xf32, #tpu.memory_space<vmem>>
    tpu.enqueue_dma source(%dma_start3A_250 : memref<8x1024xf32, #tpu.memory_space<vmem>>) target(%dma_start3A_246 : memref<8x1024xf32, #tpu.memory_space<hbm>>) target_semaphore(%arg13 : memref<!tpu.dma_semaphore, #tpu.memory_space<semaphore_mem>>)
    %add3A_251 = arith.constant 16384 : i32
    %add3A_252 = arith.addi %add3A_251, %mul3A_2 : i32
    %add3A_253 = arith.constant 8 : i32
    %add3A_254 = arith.addi %add3A_252, %add3A_253 : i32
    %dma_start3A_255 = arith.constant 1 : i32
    %dma_start3A_256 = arith.constant 16 : i32
    %dma_start3A_257 = arith.constant 0 : i32
    %dma_start3A_258 = tpu.memref_slice %arg7[%dma_start3A_255, %dma_start3A_256, %dma_start3A_257] : memref<3x32x1024xf32, #tpu.memory_space<vmem>> -> memref<1x8x1024xf32, #tpu.memory_space<vmem>>
    %dma_start3A_259 = tpu.memref_squeeze %dma_start3A_258 : memref<1x8x1024xf32, #tpu.memory_space<vmem>> -> memref<8x1024xf32, #tpu.memory_space<vmem>>
    %dma_start3A_260 = arith.constant 0 : i32
    %dma_start3A_261 = tpu.memref_slice %arg5[%add3A_254, %dma_start3A_260] : memref<32768x1024xf32, #tpu.memory_space<hbm>> -> memref<8x1024xf32, #tpu.memory_space<hbm>>
    %dma_start3A_262 = arith.constant 0 : i32
    %dma_start3A_263 = tpu.memref_slice %arg5[%add3A_254, %dma_start3A_262] : memref<32768x1024xf32, #tpu.memory_space<hbm>> -> memref<8x1024xf32, #tpu.memory_space<hbm>>
    %dma_start3A_264 = arith.constant 16 : i32
    %dma_start3A_265 = arith.constant 0 : i32
    %dma_start3A_266 = tpu.memref_slice %arg7[%dma_start3A_255, %dma_start3A_264, %dma_start3A_265] : memref<3x32x1024xf32, #tpu.memory_space<vmem>> -> memref<1x8x1024xf32, #tpu.memory_space<vmem>>
    %dma_start3A_267 = tpu.memref_squeeze %dma_start3A_266 : memref<1x8x1024xf32, #tpu.memory_space<vmem>> -> memref<8x1024xf32, #tpu.memory_space<vmem>>
    tpu.enqueue_dma source(%dma_start3A_267 : memref<8x1024xf32, #tpu.memory_space<vmem>>) target(%dma_start3A_263 : memref<8x1024xf32, #tpu.memory_space<hbm>>) target_semaphore(%arg13 : memref<!tpu.dma_semaphore, #tpu.memory_space<semaphore_mem>>)
    %add3A_268 = arith.constant 24576 : i32
    %add3A_269 = arith.addi %add3A_268, %mul3A_2 : i32
    %add3A_270 = arith.constant 8 : i32
    %add3A_271 = arith.addi %add3A_269, %add3A_270 : i32
    %dma_start3A_272 = arith.constant 1 : i32
    %dma_start3A_273 = arith.constant 24 : i32
    %dma_start3A_274 = arith.constant 0 : i32
    %dma_start3A_275 = tpu.memref_slice %arg7[%dma_start3A_272, %dma_start3A_273, %dma_start3A_274] : memref<3x32x1024xf32, #tpu.memory_space<vmem>> -> memref<1x8x1024xf32, #tpu.memory_space<vmem>>
    %dma_start3A_276 = tpu.memref_squeeze %dma_start3A_275 : memref<1x8x1024xf32, #tpu.memory_space<vmem>> -> memref<8x1024xf32, #tpu.memory_space<vmem>>
    %dma_start3A_277 = arith.constant 0 : i32
    %dma_start3A_278 = tpu.memref_slice %arg5[%add3A_271, %dma_start3A_277] : memref<32768x1024xf32, #tpu.memory_space<hbm>> -> memref<8x1024xf32, #tpu.memory_space<hbm>>
    %dma_start3A_279 = arith.constant 0 : i32
    %dma_start3A_280 = tpu.memref_slice %arg5[%add3A_271, %dma_start3A_279] : memref<32768x1024xf32, #tpu.memory_space<hbm>> -> memref<8x1024xf32, #tpu.memory_space<hbm>>
    %dma_start3A_281 = arith.constant 24 : i32
    %dma_start3A_282 = arith.constant 0 : i32
    %dma_start3A_283 = tpu.memref_slice %arg7[%dma_start3A_272, %dma_start3A_281, %dma_start3A_282] : memref<3x32x1024xf32, #tpu.memory_space<vmem>> -> memref<1x8x1024xf32, #tpu.memory_space<vmem>>
    %dma_start3A_284 = tpu.memref_squeeze %dma_start3A_283 : memref<1x8x1024xf32, #tpu.memory_space<vmem>> -> memref<8x1024xf32, #tpu.memory_space<vmem>>
    tpu.enqueue_dma source(%dma_start3A_284 : memref<8x1024xf32, #tpu.memory_space<vmem>>) target(%dma_start3A_280 : memref<8x1024xf32, #tpu.memory_space<hbm>>) target_semaphore(%arg13 : memref<!tpu.dma_semaphore, #tpu.memory_space<semaphore_mem>>)
    %dma_wait3A_285 = arith.constant 0 : i32
    %dma_wait3A_286 = arith.constant 0 : i32
    %dma_wait3A_287 = arith.constant 0 : i32
    %dma_wait3A_288 = tpu.memref_slice %arg7[%dma_wait3A_285, %dma_wait3A_286, %dma_wait3A_287] : memref<3x32x1024xf32, #tpu.memory_space<vmem>> -> memref<1x32x1024xf32, #tpu.memory_space<vmem>>
    %dma_wait3A_289 = tpu.memref_squeeze %dma_wait3A_288 : memref<1x32x1024xf32, #tpu.memory_space<vmem>> -> memref<32x1024xf32, #tpu.memory_space<vmem>>
    %dma_wait3A_290 = arith.constant 0 : i32
    %dma_wait3A_291 = arith.constant 0 : i32
    %dma_wait3A_292 = tpu.memref_slice %arg5[%dma_wait3A_290, %dma_wait3A_291] : memref<32768x1024xf32, #tpu.memory_space<hbm>> -> memref<32x1024xf32, #tpu.memory_space<hbm>>
    %dma_wait3A_293 = arith.constant 0 : i32
    %dma_wait3A_294 = arith.constant 0 : i32
    %dma_wait3A_295 = tpu.memref_slice %arg5[%dma_wait3A_293, %dma_wait3A_294] : memref<32768x1024xf32, #tpu.memory_space<hbm>> -> memref<32x1024xf32, #tpu.memory_space<hbm>>
    %dma_wait3A_296 = arith.constant 0 : i32
    %dma_wait3A_297 = arith.constant 0 : i32
    %dma_wait3A_298 = tpu.memref_slice %arg7[%dma_wait3A_285, %dma_wait3A_296, %dma_wait3A_297] : memref<3x32x1024xf32, #tpu.memory_space<vmem>> -> memref<1x32x1024xf32, #tpu.memory_space<vmem>>
    %dma_wait3A_299 = tpu.memref_squeeze %dma_wait3A_298 : memref<1x32x1024xf32, #tpu.memory_space<vmem>> -> memref<32x1024xf32, #tpu.memory_space<vmem>>
    tpu.wait_dma2 semaphore(%arg12 : memref<!tpu.dma_semaphore, #tpu.memory_space<semaphore_mem>>) src(%dma_wait3A_299 : memref<32x1024xf32, #tpu.memory_space<vmem>>) dst(%dma_wait3A_295 : memref<32x1024xf32, #tpu.memory_space<hbm>>)
    %dma_start3A_300 = arith.constant 0 : i32
    %dma_start3A_301 = arith.constant 0 : i32
    %dma_start3A_302 = arith.constant 0 : i32
    %dma_start3A_303 = tpu.memref_slice %arg7[%dma_start3A_300, %dma_start3A_301, %dma_start3A_302] : memref<3x32x1024xf32, #tpu.memory_space<vmem>> -> memref<1x8x1024xf32, #tpu.memory_space<vmem>>
    %dma_start3A_304 = tpu.memref_squeeze %dma_start3A_303 : memref<1x8x1024xf32, #tpu.memory_space<vmem>> -> memref<8x1024xf32, #tpu.memory_space<vmem>>
    %dma_start3A_305 = arith.constant 24 : i32
    %dma_start3A_306 = tpu.memref_slice %arg6[%dma_start3A_305] : memref<1024xi32, #tpu.memory_space<vmem>> -> memref<8xi32, #tpu.memory_space<vmem>>
    %dma_start3A_307 = arith.constant 0 : i32
    %dma_start3A_308 = arith.constant 0 : i32
    %dma_start3A_309 = tpu.memref_slice %arg3[%dma_start3A_307, %dma_start3A_308] : memref<100000x1024xf32, #tpu.memory_space<hbm>> -> memref<100000x1024xf32, #tpu.memory_space<hbm>>
    tpu.enqueue_indirect_dma source(%dma_start3A_309 : memref<100000x1024xf32, #tpu.memory_space<hbm>>) target(%dma_start3A_304 : memref<8x1024xf32, #tpu.memory_space<vmem>>) offsets(%dma_start3A_306 : memref<8xi32, #tpu.memory_space<vmem>>) semaphore(%arg9 : memref<!tpu.dma_semaphore, #tpu.memory_space<semaphore_mem>>)
    %dma_start3A_310 = arith.constant 0 : i32
    %dma_start3A_311 = arith.constant 8 : i32
    %dma_start3A_312 = arith.constant 0 : i32
    %dma_start3A_313 = tpu.memref_slice %arg7[%dma_start3A_310, %dma_start3A_311, %dma_start3A_312] : memref<3x32x1024xf32, #tpu.memory_space<vmem>> -> memref<1x8x1024xf32, #tpu.memory_space<vmem>>
    %dma_start3A_314 = tpu.memref_squeeze %dma_start3A_313 : memref<1x8x1024xf32, #tpu.memory_space<vmem>> -> memref<8x1024xf32, #tpu.memory_space<vmem>>
    %dma_start3A_315 = arith.constant 280 : i32
    %dma_start3A_316 = tpu.memref_slice %arg6[%dma_start3A_315] : memref<1024xi32, #tpu.memory_space<vmem>> -> memref<8xi32, #tpu.memory_space<vmem>>
    %dma_start3A_317 = arith.constant 0 : i32
    %dma_start3A_318 = arith.constant 0 : i32
    %dma_start3A_319 = tpu.memref_slice %arg3[%dma_start3A_317, %dma_start3A_318] : memref<100000x1024xf32, #tpu.memory_space<hbm>> -> memref<100000x1024xf32, #tpu.memory_space<hbm>>
    tpu.enqueue_indirect_dma source(%dma_start3A_319 : memref<100000x1024xf32, #tpu.memory_space<hbm>>) target(%dma_start3A_314 : memref<8x1024xf32, #tpu.memory_space<vmem>>) offsets(%dma_start3A_316 : memref<8xi32, #tpu.memory_space<vmem>>) semaphore(%arg9 : memref<!tpu.dma_semaphore, #tpu.memory_space<semaphore_mem>>)
    %dma_start3A_320 = arith.constant 0 : i32
    %dma_start3A_321 = arith.constant 16 : i32
    %dma_start3A_322 = arith.constant 0 : i32
    %dma_start3A_323 = tpu.memref_slice %arg7[%dma_start3A_320, %dma_start3A_321, %dma_start3A_322] : memref<3x32x1024xf32, #tpu.memory_space<vmem>> -> memref<1x8x1024xf32, #tpu.memory_space<vmem>>
    %dma_start3A_324 = tpu.memref_squeeze %dma_start3A_323 : memref<1x8x1024xf32, #tpu.memory_space<vmem>> -> memref<8x1024xf32, #tpu.memory_space<vmem>>
    %dma_start3A_325 = arith.constant 536 : i32
    %dma_start3A_326 = tpu.memref_slice %arg6[%dma_start3A_325] : memref<1024xi32, #tpu.memory_space<vmem>> -> memref<8xi32, #tpu.memory_space<vmem>>
    %dma_start3A_327 = arith.constant 0 : i32
    %dma_start3A_328 = arith.constant 0 : i32
    %dma_start3A_329 = tpu.memref_slice %arg3[%dma_start3A_327, %dma_start3A_328] : memref<100000x1024xf32, #tpu.memory_space<hbm>> -> memref<100000x1024xf32, #tpu.memory_space<hbm>>
    tpu.enqueue_indirect_dma source(%dma_start3A_329 : memref<100000x1024xf32, #tpu.memory_space<hbm>>) target(%dma_start3A_324 : memref<8x1024xf32, #tpu.memory_space<vmem>>) offsets(%dma_start3A_326 : memref<8xi32, #tpu.memory_space<vmem>>) semaphore(%arg9 : memref<!tpu.dma_semaphore, #tpu.memory_space<semaphore_mem>>)
    %dma_start3A_330 = arith.constant 0 : i32
    %dma_start3A_331 = arith.constant 24 : i32
    %dma_start3A_332 = arith.constant 0 : i32
    %dma_start3A_333 = tpu.memref_slice %arg7[%dma_start3A_330, %dma_start3A_331, %dma_start3A_332] : memref<3x32x1024xf32, #tpu.memory_space<vmem>> -> memref<1x8x1024xf32, #tpu.memory_space<vmem>>
    %dma_start3A_334 = tpu.memref_squeeze %dma_start3A_333 : memref<1x8x1024xf32, #tpu.memory_space<vmem>> -> memref<8x1024xf32, #tpu.memory_space<vmem>>
    %dma_start3A_335 = arith.constant 792 : i32
    %dma_start3A_336 = tpu.memref_slice %arg6[%dma_start3A_335] : memref<1024xi32, #tpu.memory_space<vmem>> -> memref<8xi32, #tpu.memory_space<vmem>>
    %dma_start3A_337 = arith.constant 0 : i32
    %dma_start3A_338 = arith.constant 0 : i32
    %dma_start3A_339 = tpu.memref_slice %arg3[%dma_start3A_337, %dma_start3A_338] : memref<100000x1024xf32, #tpu.memory_space<hbm>> -> memref<100000x1024xf32, #tpu.memory_space<hbm>>
    tpu.enqueue_indirect_dma source(%dma_start3A_339 : memref<100000x1024xf32, #tpu.memory_space<hbm>>) target(%dma_start3A_334 : memref<8x1024xf32, #tpu.memory_space<vmem>>) offsets(%dma_start3A_336 : memref<8xi32, #tpu.memory_space<vmem>>) semaphore(%arg9 : memref<!tpu.dma_semaphore, #tpu.memory_space<semaphore_mem>>)
    %dma_wait3A_340 = arith.constant 2 : i32
    %dma_wait3A_341 = arith.constant 0 : i32
    %dma_wait3A_342 = arith.constant 0 : i32
    %dma_wait3A_343 = tpu.memref_slice %arg7[%dma_wait3A_340, %dma_wait3A_341, %dma_wait3A_342] : memref<3x32x1024xf32, #tpu.memory_space<vmem>> -> memref<1x32x1024xf32, #tpu.memory_space<vmem>>
    %dma_wait3A_344 = tpu.memref_squeeze %dma_wait3A_343 : memref<1x32x1024xf32, #tpu.memory_space<vmem>> -> memref<32x1024xf32, #tpu.memory_space<vmem>>
    %dma_wait3A_345 = arith.constant 0 : i32
    %dma_wait3A_346 = tpu.memref_slice %arg6[%dma_wait3A_345] : memref<1024xi32, #tpu.memory_space<vmem>> -> memref<32xi32, #tpu.memory_space<vmem>>
    %dma_wait3A_347 = arith.constant 0 : i32
    %dma_wait3A_348 = arith.constant 0 : i32
    %dma_wait3A_349 = tpu.memref_slice %arg3[%dma_wait3A_347, %dma_wait3A_348] : memref<100000x1024xf32, #tpu.memory_space<hbm>> -> memref<100000x1024xf32, #tpu.memory_space<hbm>>
    tpu.wait_indirect_dma semaphore(%arg11 : memref<!tpu.dma_semaphore, #tpu.memory_space<semaphore_mem>>) src(%dma_wait3A_349 : memref<100000x1024xf32, #tpu.memory_space<hbm>>) dst(%dma_wait3A_344 : memref<32x1024xf32, #tpu.memory_space<vmem>>)
    %add3A_350 = arith.constant 0 : i32
    %add3A_351 = arith.addi %add3A_350, %mul3A_2 : i32
    %add3A_352 = arith.constant 16 : i32
    %add3A_353 = arith.addi %add3A_351, %add3A_352 : i32
    %dma_start3A_354 = arith.constant 2 : i32
    %dma_start3A_355 = arith.constant 0 : i32
    %dma_start3A_356 = arith.constant 0 : i32
    %dma_start3A_357 = tpu.memref_slice %arg7[%dma_start3A_354, %dma_start3A_355, %dma_start3A_356] : memref<3x32x1024xf32, #tpu.memory_space<vmem>> -> memref<1x8x1024xf32, #tpu.memory_space<vmem>>
    %dma_start3A_358 = tpu.memref_squeeze %dma_start3A_357 : memref<1x8x1024xf32, #tpu.memory_space<vmem>> -> memref<8x1024xf32, #tpu.memory_space<vmem>>
    %dma_start3A_359 = arith.constant 0 : i32
    %dma_start3A_360 = tpu.memref_slice %arg5[%add3A_353, %dma_start3A_359] : memref<32768x1024xf32, #tpu.memory_space<hbm>> -> memref<8x1024xf32, #tpu.memory_space<hbm>>
    %dma_start3A_361 = arith.constant 0 : i32
    %dma_start3A_362 = tpu.memref_slice %arg5[%add3A_353, %dma_start3A_361] : memref<32768x1024xf32, #tpu.memory_space<hbm>> -> memref<8x1024xf32, #tpu.memory_space<hbm>>
    %dma_start3A_363 = arith.constant 0 : i32
    %dma_start3A_364 = arith.constant 0 : i32
    %dma_start3A_365 = tpu.memref_slice %arg7[%dma_start3A_354, %dma_start3A_363, %dma_start3A_364] : memref<3x32x1024xf32, #tpu.memory_space<vmem>> -> memref<1x8x1024xf32, #tpu.memory_space<vmem>>
    %dma_start3A_366 = tpu.memref_squeeze %dma_start3A_365 : memref<1x8x1024xf32, #tpu.memory_space<vmem>> -> memref<8x1024xf32, #tpu.memory_space<vmem>>
    tpu.enqueue_dma source(%dma_start3A_366 : memref<8x1024xf32, #tpu.memory_space<vmem>>) target(%dma_start3A_362 : memref<8x1024xf32, #tpu.memory_space<hbm>>) target_semaphore(%arg14 : memref<!tpu.dma_semaphore, #tpu.memory_space<semaphore_mem>>)
    %add3A_367 = arith.constant 8192 : i32
    %add3A_368 = arith.addi %add3A_367, %mul3A_2 : i32
    %add3A_369 = arith.constant 16 : i32
    %add3A_370 = arith.addi %add3A_368, %add3A_369 : i32
    %dma_start3A_371 = arith.constant 2 : i32
    %dma_start3A_372 = arith.constant 8 : i32
    %dma_start3A_373 = arith.constant 0 : i32
    %dma_start3A_374 = tpu.memref_slice %arg7[%dma_start3A_371, %dma_start3A_372, %dma_start3A_373] : memref<3x32x1024xf32, #tpu.memory_space<vmem>> -> memref<1x8x1024xf32, #tpu.memory_space<vmem>>
    %dma_start3A_375 = tpu.memref_squeeze %dma_start3A_374 : memref<1x8x1024xf32, #tpu.memory_space<vmem>> -> memref<8x1024xf32, #tpu.memory_space<vmem>>
    %dma_start3A_376 = arith.constant 0 : i32
    %dma_start3A_377 = tpu.memref_slice %arg5[%add3A_370, %dma_start3A_376] : memref<32768x1024xf32, #tpu.memory_space<hbm>> -> memref<8x1024xf32, #tpu.memory_space<hbm>>
    %dma_start3A_378 = arith.constant 0 : i32
    %dma_start3A_379 = tpu.memref_slice %arg5[%add3A_370, %dma_start3A_378] : memref<32768x1024xf32, #tpu.memory_space<hbm>> -> memref<8x1024xf32, #tpu.memory_space<hbm>>
    %dma_start3A_380 = arith.constant 8 : i32
    %dma_start3A_381 = arith.constant 0 : i32
    %dma_start3A_382 = tpu.memref_slice %arg7[%dma_start3A_371, %dma_start3A_380, %dma_start3A_381] : memref<3x32x1024xf32, #tpu.memory_space<vmem>> -> memref<1x8x1024xf32, #tpu.memory_space<vmem>>
    %dma_start3A_383 = tpu.memref_squeeze %dma_start3A_382 : memref<1x8x1024xf32, #tpu.memory_space<vmem>> -> memref<8x1024xf32, #tpu.memory_space<vmem>>
    tpu.enqueue_dma source(%dma_start3A_383 : memref<8x1024xf32, #tpu.memory_space<vmem>>) target(%dma_start3A_379 : memref<8x1024xf32, #tpu.memory_space<hbm>>) target_semaphore(%arg14 : memref<!tpu.dma_semaphore, #tpu.memory_space<semaphore_mem>>)
    %add3A_384 = arith.constant 16384 : i32
    %add3A_385 = arith.addi %add3A_384, %mul3A_2 : i32
    %add3A_386 = arith.constant 16 : i32
    %add3A_387 = arith.addi %add3A_385, %add3A_386 : i32
    %dma_start3A_388 = arith.constant 2 : i32
    %dma_start3A_389 = arith.constant 16 : i32
    %dma_start3A_390 = arith.constant 0 : i32
    %dma_start3A_391 = tpu.memref_slice %arg7[%dma_start3A_388, %dma_start3A_389, %dma_start3A_390] : memref<3x32x1024xf32, #tpu.memory_space<vmem>> -> memref<1x8x1024xf32, #tpu.memory_space<vmem>>
    %dma_start3A_392 = tpu.memref_squeeze %dma_start3A_391 : memref<1x8x1024xf32, #tpu.memory_space<vmem>> -> memref<8x1024xf32, #tpu.memory_space<vmem>>
    %dma_start3A_393 = arith.constant 0 : i32
    %dma_start3A_394 = tpu.memref_slice %arg5[%add3A_387, %dma_start3A_393] : memref<32768x1024xf32, #tpu.memory_space<hbm>> -> memref<8x1024xf32, #tpu.memory_space<hbm>>
    %dma_start3A_395 = arith.constant 0 : i32
    %dma_start3A_396 = tpu.memref_slice %arg5[%add3A_387, %dma_start3A_395] : memref<32768x1024xf32, #tpu.memory_space<hbm>> -> memref<8x1024xf32, #tpu.memory_space<hbm>>
    %dma_start3A_397 = arith.constant 16 : i32
    %dma_start3A_398 = arith.constant 0 : i32
    %dma_start3A_399 = tpu.memref_slice %arg7[%dma_start3A_388, %dma_start3A_397, %dma_start3A_398] : memref<3x32x1024xf32, #tpu.memory_space<vmem>> -> memref<1x8x1024xf32, #tpu.memory_space<vmem>>
    %dma_start3A_400 = tpu.memref_squeeze %dma_start3A_399 : memref<1x8x1024xf32, #tpu.memory_space<vmem>> -> memref<8x1024xf32, #tpu.memory_space<vmem>>
    tpu.enqueue_dma source(%dma_start3A_400 : memref<8x1024xf32, #tpu.memory_space<vmem>>) target(%dma_start3A_396 : memref<8x1024xf32, #tpu.memory_space<hbm>>) target_semaphore(%arg14 : memref<!tpu.dma_semaphore, #tpu.memory_space<semaphore_mem>>)
    %add3A_401 = arith.constant 24576 : i32
    %add3A_402 = arith.addi %add3A_401, %mul3A_2 : i32
    %add3A_403 = arith.constant 16 : i32
    %add3A_404 = arith.addi %add3A_402, %add3A_403 : i32
    %dma_start3A_405 = arith.constant 2 : i32
    %dma_start3A_406 = arith.constant 24 : i32
    %dma_start3A_407 = arith.constant 0 : i32
    %dma_start3A_408 = tpu.memref_slice %arg7[%dma_start3A_405, %dma_start3A_406, %dma_start3A_407] : memref<3x32x1024xf32, #tpu.memory_space<vmem>> -> memref<1x8x1024xf32, #tpu.memory_space<vmem>>
    %dma_start3A_409 = tpu.memref_squeeze %dma_start3A_408 : memref<1x8x1024xf32, #tpu.memory_space<vmem>> -> memref<8x1024xf32, #tpu.memory_space<vmem>>
    %dma_start3A_410 = arith.constant 0 : i32
    %dma_start3A_411 = tpu.memref_slice %arg5[%add3A_404, %dma_start3A_410] : memref<32768x1024xf32, #tpu.memory_space<hbm>> -> memref<8x1024xf32, #tpu.memory_space<hbm>>
    %dma_start3A_412 = arith.constant 0 : i32
    %dma_start3A_413 = tpu.memref_slice %arg5[%add3A_404, %dma_start3A_412] : memref<32768x1024xf32, #tpu.memory_space<hbm>> -> memref<8x1024xf32, #tpu.memory_space<hbm>>
    %dma_start3A_414 = arith.constant 24 : i32
    %dma_start3A_415 = arith.constant 0 : i32
    %dma_start3A_416 = tpu.memref_slice %arg7[%dma_start3A_405, %dma_start3A_414, %dma_start3A_415] : memref<3x32x1024xf32, #tpu.memory_space<vmem>> -> memref<1x8x1024xf32, #tpu.memory_space<vmem>>
    %dma_start3A_417 = tpu.memref_squeeze %dma_start3A_416 : memref<1x8x1024xf32, #tpu.memory_space<vmem>> -> memref<8x1024xf32, #tpu.memory_space<vmem>>
    tpu.enqueue_dma source(%dma_start3A_417 : memref<8x1024xf32, #tpu.memory_space<vmem>>) target(%dma_start3A_413 : memref<8x1024xf32, #tpu.memory_space<hbm>>) target_semaphore(%arg14 : memref<!tpu.dma_semaphore, #tpu.memory_space<semaphore_mem>>)
    %dma_wait3A_418 = arith.constant 1 : i32
    %dma_wait3A_419 = arith.constant 0 : i32
    %dma_wait3A_420 = arith.constant 0 : i32
    %dma_wait3A_421 = tpu.memref_slice %arg7[%dma_wait3A_418, %dma_wait3A_419, %dma_wait3A_420] : memref<3x32x1024xf32, #tpu.memory_space<vmem>> -> memref<1x32x1024xf32, #tpu.memory_space<vmem>>
    %dma_wait3A_422 = tpu.memref_squeeze %dma_wait3A_421 : memref<1x32x1024xf32, #tpu.memory_space<vmem>> -> memref<32x1024xf32, #tpu.memory_space<vmem>>
    %dma_wait3A_423 = arith.constant 0 : i32
    %dma_wait3A_424 = arith.constant 0 : i32
    %dma_wait3A_425 = tpu.memref_slice %arg5[%dma_wait3A_423, %dma_wait3A_424] : memref<32768x1024xf32, #tpu.memory_space<hbm>> -> memref<32x1024xf32, #tpu.memory_space<hbm>>
    %dma_wait3A_426 = arith.constant 0 : i32
    %dma_wait3A_427 = arith.constant 0 : i32
    %dma_wait3A_428 = tpu.memref_slice %arg5[%dma_wait3A_426, %dma_wait3A_427] : memref<32768x1024xf32, #tpu.memory_space<hbm>> -> memref<32x1024xf32, #tpu.memory_space<hbm>>
    %dma_wait3A_429 = arith.constant 0 : i32
    %dma_wait3A_430 = arith.constant 0 : i32
    %dma_wait3A_431 = tpu.memref_slice %arg7[%dma_wait3A_418, %dma_wait3A_429, %dma_wait3A_430] : memref<3x32x1024xf32, #tpu.memory_space<vmem>> -> memref<1x32x1024xf32, #tpu.memory_space<vmem>>
    %dma_wait3A_432 = tpu.memref_squeeze %dma_wait3A_431 : memref<1x32x1024xf32, #tpu.memory_space<vmem>> -> memref<32x1024xf32, #tpu.memory_space<vmem>>
    tpu.wait_dma2 semaphore(%arg13 : memref<!tpu.dma_semaphore, #tpu.memory_space<semaphore_mem>>) src(%dma_wait3A_432 : memref<32x1024xf32, #tpu.memory_space<vmem>>) dst(%dma_wait3A_428 : memref<32x1024xf32, #tpu.memory_space<hbm>>)
    %dma_start3A_433 = arith.constant 1 : i32
    %dma_start3A_434 = arith.constant 0 : i32
    %dma_start3A_435 = arith.constant 0 : i32
    %dma_start3A_436 = tpu.memref_slice %arg7[%dma_start3A_433, %dma_start3A_434, %dma_start3A_435] : memref<3x32x1024xf32, #tpu.memory_space<vmem>> -> memref<1x8x1024xf32, #tpu.memory_space<vmem>>
    %dma_start3A_437 = tpu.memref_squeeze %dma_start3A_436 : memref<1x8x1024xf32, #tpu.memory_space<vmem>> -> memref<8x1024xf32, #tpu.memory_space<vmem>>
    %dma_start3A_438 = arith.constant 32 : i32
    %dma_start3A_439 = tpu.memref_slice %arg6[%dma_start3A_438] : memref<1024xi32, #tpu.memory_space<vmem>> -> memref<8xi32, #tpu.memory_space<vmem>>
    %dma_start3A_440 = arith.constant 0 : i32
    %dma_start3A_441 = arith.constant 0 : i32
    %dma_start3A_442 = tpu.memref_slice %arg3[%dma_start3A_440, %dma_start3A_441] : memref<100000x1024xf32, #tpu.memory_space<hbm>> -> memref<100000x1024xf32, #tpu.memory_space<hbm>>
    tpu.enqueue_indirect_dma source(%dma_start3A_442 : memref<100000x1024xf32, #tpu.memory_space<hbm>>) target(%dma_start3A_437 : memref<8x1024xf32, #tpu.memory_space<vmem>>) offsets(%dma_start3A_439 : memref<8xi32, #tpu.memory_space<vmem>>) semaphore(%arg10 : memref<!tpu.dma_semaphore, #tpu.memory_space<semaphore_mem>>)
    %dma_start3A_443 = arith.constant 1 : i32
    %dma_start3A_444 = arith.constant 8 : i32
    %dma_start3A_445 = arith.constant 0 : i32
    %dma_start3A_446 = tpu.memref_slice %arg7[%dma_start3A_443, %dma_start3A_444, %dma_start3A_445] : memref<3x32x1024xf32, #tpu.memory_space<vmem>> -> memref<1x8x1024xf32, #tpu.memory_space<vmem>>
    %dma_start3A_447 = tpu.memref_squeeze %dma_start3A_446 : memref<1x8x1024xf32, #tpu.memory_space<vmem>> -> memref<8x1024xf32, #tpu.memory_space<vmem>>
    %dma_start3A_448 = arith.constant 288 : i32
    %dma_start3A_449 = tpu.memref_slice %arg6[%dma_start3A_448] : memref<1024xi32, #tpu.memory_space<vmem>> -> memref<8xi32, #tpu.memory_space<vmem>>
    %dma_start3A_450 = arith.constant 0 : i32
    %dma_start3A_451 = arith.constant 0 : i32
    %dma_start3A_452 = tpu.memref_slice %arg3[%dma_start3A_450, %dma_start3A_451] : memref<100000x1024xf32, #tpu.memory_space<hbm>> -> memref<100000x1024xf32, #tpu.memory_space<hbm>>
    tpu.enqueue_indirect_dma source(%dma_start3A_452 : memref<100000x1024xf32, #tpu.memory_space<hbm>>) target(%dma_start3A_447 : memref<8x1024xf32, #tpu.memory_space<vmem>>) offsets(%dma_start3A_449 : memref<8xi32, #tpu.memory_space<vmem>>) semaphore(%arg10 : memref<!tpu.dma_semaphore, #tpu.memory_space<semaphore_mem>>)
    %dma_start3A_453 = arith.constant 1 : i32
    %dma_start3A_454 = arith.constant 16 : i32
    %dma_start3A_455 = arith.constant 0 : i32
    %dma_start3A_456 = tpu.memref_slice %arg7[%dma_start3A_453, %dma_start3A_454, %dma_start3A_455] : memref<3x32x1024xf32, #tpu.memory_space<vmem>> -> memref<1x8x1024xf32, #tpu.memory_space<vmem>>
    %dma_start3A_457 = tpu.memref_squeeze %dma_start3A_456 : memref<1x8x1024xf32, #tpu.memory_space<vmem>> -> memref<8x1024xf32, #tpu.memory_space<vmem>>
    %dma_start3A_458 = arith.constant 544 : i32
    %dma_start3A_459 = tpu.memref_slice %arg6[%dma_start3A_458] : memref<1024xi32, #tpu.memory_space<vmem>> -> memref<8xi32, #tpu.memory_space<vmem>>
    %dma_start3A_460 = arith.constant 0 : i32
    %dma_start3A_461 = arith.constant 0 : i32
    %dma_start3A_462 = tpu.memref_slice %arg3[%dma_start3A_460, %dma_start3A_461] : memref<100000x1024xf32, #tpu.memory_space<hbm>> -> memref<100000x1024xf32, #tpu.memory_space<hbm>>
    tpu.enqueue_indirect_dma source(%dma_start3A_462 : memref<100000x1024xf32, #tpu.memory_space<hbm>>) target(%dma_start3A_457 : memref<8x1024xf32, #tpu.memory_space<vmem>>) offsets(%dma_start3A_459 : memref<8xi32, #tpu.memory_space<vmem>>) semaphore(%arg10 : memref<!tpu.dma_semaphore, #tpu.memory_space<semaphore_mem>>)
    %dma_start3A_463 = arith.constant 1 : i32
    %dma_start3A_464 = arith.constant 24 : i32
    %dma_start3A_465 = arith.constant 0 : i32
    %dma_start3A_466 = tpu.memref_slice %arg7[%dma_start3A_463, %dma_start3A_464, %dma_start3A_465] : memref<3x32x1024xf32, #tpu.memory_space<vmem>> -> memref<1x8x1024xf32, #tpu.memory_space<vmem>>
    %dma_start3A_467 = tpu.memref_squeeze %dma_start3A_466 : memref<1x8x1024xf32, #tpu.memory_space<vmem>> -> memref<8x1024xf32, #tpu.memory_space<vmem>>
    %dma_start3A_468 = arith.constant 800 : i32
    %dma_start3A_469 = tpu.memref_slice %arg6[%dma_start3A_468] : memref<1024xi32, #tpu.memory_space<vmem>> -> memref<8xi32, #tpu.memory_space<vmem>>
    %dma_start3A_470 = arith.constant 0 : i32
    %dma_start3A_471 = arith.constant 0 : i32
    %dma_start3A_472 = tpu.memref_slice %arg3[%dma_start3A_470, %dma_start3A_471] : memref<100000x1024xf32, #tpu.memory_space<hbm>> -> memref<100000x1024xf32, #tpu.memory_space<hbm>>
    tpu.enqueue_indirect_dma source(%dma_start3A_472 : memref<100000x1024xf32, #tpu.memory_space<hbm>>) target(%dma_start3A_467 : memref<8x1024xf32, #tpu.memory_space<vmem>>) offsets(%dma_start3A_469 : memref<8xi32, #tpu.memory_space<vmem>>) semaphore(%arg10 : memref<!tpu.dma_semaphore, #tpu.memory_space<semaphore_mem>>)
    %dma_wait3A_473 = arith.constant 0 : i32
    %dma_wait3A_474 = arith.constant 0 : i32
    %dma_wait3A_475 = arith.constant 0 : i32
    %dma_wait3A_476 = tpu.memref_slice %arg7[%dma_wait3A_473, %dma_wait3A_474, %dma_wait3A_475] : memref<3x32x1024xf32, #tpu.memory_space<vmem>> -> memref<1x32x1024xf32, #tpu.memory_space<vmem>>
    %dma_wait3A_477 = tpu.memref_squeeze %dma_wait3A_476 : memref<1x32x1024xf32, #tpu.memory_space<vmem>> -> memref<32x1024xf32, #tpu.memory_space<vmem>>
    %dma_wait3A_478 = arith.constant 0 : i32
    %dma_wait3A_479 = tpu.memref_slice %arg6[%dma_wait3A_478] : memref<1024xi32, #tpu.memory_space<vmem>> -> memref<32xi32, #tpu.memory_space<vmem>>
    %dma_wait3A_480 = arith.constant 0 : i32
    %dma_wait3A_481 = arith.constant 0 : i32
    %dma_wait3A_482 = tpu.memref_slice %arg3[%dma_wait3A_480, %dma_wait3A_481] : memref<100000x1024xf32, #tpu.memory_space<hbm>> -> memref<100000x1024xf32, #tpu.memory_space<hbm>>
    tpu.wait_indirect_dma semaphore(%arg9 : memref<!tpu.dma_semaphore, #tpu.memory_space<semaphore_mem>>) src(%dma_wait3A_482 : memref<100000x1024xf32, #tpu.memory_space<hbm>>) dst(%dma_wait3A_477 : memref<32x1024xf32, #tpu.memory_space<vmem>>)
    %add3A_483 = arith.constant 0 : i32
    %add3A_484 = arith.addi %add3A_483, %mul3A_2 : i32
    %add3A_485 = arith.constant 24 : i32
    %add3A_486 = arith.addi %add3A_484, %add3A_485 : i32
    %dma_start3A_487 = arith.constant 0 : i32
    %dma_start3A_488 = arith.constant 0 : i32
    %dma_start3A_489 = arith.constant 0 : i32
    %dma_start3A_490 = tpu.memref_slice %arg7[%dma_start3A_487, %dma_start3A_488, %dma_start3A_489] : memref<3x32x1024xf32, #tpu.memory_space<vmem>> -> memref<1x8x1024xf32, #tpu.memory_space<vmem>>
    %dma_start3A_491 = tpu.memref_squeeze %dma_start3A_490 : memref<1x8x1024xf32, #tpu.memory_space<vmem>> -> memref<8x1024xf32, #tpu.memory_space<vmem>>
    %dma_start3A_492 = arith.constant 0 : i32
    %dma_start3A_493 = tpu.memref_slice %arg5[%add3A_486, %dma_start3A_492] : memref<32768x1024xf32, #tpu.memory_space<hbm>> -> memref<8x1024xf32, #tpu.memory_space<hbm>>
    %dma_start3A_494 = arith.constant 0 : i32
    %dma_start3A_495 = tpu.memref_slice %arg5[%add3A_486, %dma_start3A_494] : memref<32768x1024xf32, #tpu.memory_space<hbm>> -> memref<8x1024xf32, #tpu.memory_space<hbm>>
    %dma_start3A_496 = arith.constant 0 : i32
    %dma_start3A_497 = arith.constant 0 : i32
    %dma_start3A_498 = tpu.memref_slice %arg7[%dma_start3A_487, %dma_start3A_496, %dma_start3A_497] : memref<3x32x1024xf32, #tpu.memory_space<vmem>> -> memref<1x8x1024xf32, #tpu.memory_space<vmem>>
    %dma_start3A_499 = tpu.memref_squeeze %dma_start3A_498 : memref<1x8x1024xf32, #tpu.memory_space<vmem>> -> memref<8x1024xf32, #tpu.memory_space<vmem>>
    tpu.enqueue_dma source(%dma_start3A_499 : memref<8x1024xf32, #tpu.memory_space<vmem>>) target(%dma_start3A_495 : memref<8x1024xf32, #tpu.memory_space<hbm>>) target_semaphore(%arg12 : memref<!tpu.dma_semaphore, #tpu.memory_space<semaphore_mem>>)
    %add3A_500 = arith.constant 8192 : i32
    %add3A_501 = arith.addi %add3A_500, %mul3A_2 : i32
    %add3A_502 = arith.constant 24 : i32
    %add3A_503 = arith.addi %add3A_501, %add3A_502 : i32
    %dma_start3A_504 = arith.constant 0 : i32
    %dma_start3A_505 = arith.constant 8 : i32
    %dma_start3A_506 = arith.constant 0 : i32
    %dma_start3A_507 = tpu.memref_slice %arg7[%dma_start3A_504, %dma_start3A_505, %dma_start3A_506] : memref<3x32x1024xf32, #tpu.memory_space<vmem>> -> memref<1x8x1024xf32, #tpu.memory_space<vmem>>
    %dma_start3A_508 = tpu.memref_squeeze %dma_start3A_507 : memref<1x8x1024xf32, #tpu.memory_space<vmem>> -> memref<8x1024xf32, #tpu.memory_space<vmem>>
    %dma_start3A_509 = arith.constant 0 : i32
    %dma_start3A_510 = tpu.memref_slice %arg5[%add3A_503, %dma_start3A_509] : memref<32768x1024xf32, #tpu.memory_space<hbm>> -> memref<8x1024xf32, #tpu.memory_space<hbm>>
    %dma_start3A_511 = arith.constant 0 : i32
    %dma_start3A_512 = tpu.memref_slice %arg5[%add3A_503, %dma_start3A_511] : memref<32768x1024xf32, #tpu.memory_space<hbm>> -> memref<8x1024xf32, #tpu.memory_space<hbm>>
    %dma_start3A_513 = arith.constant 8 : i32
    %dma_start3A_514 = arith.constant 0 : i32
    %dma_start3A_515 = tpu.memref_slice %arg7[%dma_start3A_504, %dma_start3A_513, %dma_start3A_514] : memref<3x32x1024xf32, #tpu.memory_space<vmem>> -> memref<1x8x1024xf32, #tpu.memory_space<vmem>>
    %dma_start3A_516 = tpu.memref_squeeze %dma_start3A_515 : memref<1x8x1024xf32, #tpu.memory_space<vmem>> -> memref<8x1024xf32, #tpu.memory_space<vmem>>
    tpu.enqueue_dma source(%dma_start3A_516 : memref<8x1024xf32, #tpu.memory_space<vmem>>) target(%dma_start3A_512 : memref<8x1024xf32, #tpu.memory_space<hbm>>) target_semaphore(%arg12 : memref<!tpu.dma_semaphore, #tpu.memory_space<semaphore_mem>>)
    %add3A_517 = arith.constant 16384 : i32
    %add3A_518 = arith.addi %add3A_517, %mul3A_2 : i32
    %add3A_519 = arith.constant 24 : i32
    %add3A_520 = arith.addi %add3A_518, %add3A_519 : i32
    %dma_start3A_521 = arith.constant 0 : i32
    %dma_start3A_522 = arith.constant 16 : i32
    %dma_start3A_523 = arith.constant 0 : i32
    %dma_start3A_524 = tpu.memref_slice %arg7[%dma_start3A_521, %dma_start3A_522, %dma_start3A_523] : memref<3x32x1024xf32, #tpu.memory_space<vmem>> -> memref<1x8x1024xf32, #tpu.memory_space<vmem>>
    %dma_start3A_525 = tpu.memref_squeeze %dma_start3A_524 : memref<1x8x1024xf32, #tpu.memory_space<vmem>> -> memref<8x1024xf32, #tpu.memory_space<vmem>>
    %dma_start3A_526 = arith.constant 0 : i32
    %dma_start3A_527 = tpu.memref_slice %arg5[%add3A_520, %dma_start3A_526] : memref<32768x1024xf32, #tpu.memory_space<hbm>> -> memref<8x1024xf32, #tpu.memory_space<hbm>>
    %dma_start3A_528 = arith.constant 0 : i32
    %dma_start3A_529 = tpu.memref_slice %arg5[%add3A_520, %dma_start3A_528] : memref<32768x1024xf32, #tpu.memory_space<hbm>> -> memref<8x1024xf32, #tpu.memory_space<hbm>>
    %dma_start3A_530 = arith.constant 16 : i32
    %dma_start3A_531 = arith.constant 0 : i32
    %dma_start3A_532 = tpu.memref_slice %arg7[%dma_start3A_521, %dma_start3A_530, %dma_start3A_531] : memref<3x32x1024xf32, #tpu.memory_space<vmem>> -> memref<1x8x1024xf32, #tpu.memory_space<vmem>>
    %dma_start3A_533 = tpu.memref_squeeze %dma_start3A_532 : memref<1x8x1024xf32, #tpu.memory_space<vmem>> -> memref<8x1024xf32, #tpu.memory_space<vmem>>
    tpu.enqueue_dma source(%dma_start3A_533 : memref<8x1024xf32, #tpu.memory_space<vmem>>) target(%dma_start3A_529 : memref<8x1024xf32, #tpu.memory_space<hbm>>) target_semaphore(%arg12 : memref<!tpu.dma_semaphore, #tpu.memory_space<semaphore_mem>>)
    %add3A_534 = arith.constant 24576 : i32
    %add3A_535 = arith.addi %add3A_534, %mul3A_2 : i32
    %add3A_536 = arith.constant 24 : i32
    %add3A_537 = arith.addi %add3A_535, %add3A_536 : i32
    %dma_start3A_538 = arith.constant 0 : i32
    %dma_start3A_539 = arith.constant 24 : i32
    %dma_start3A_540 = arith.constant 0 : i32
    %dma_start3A_541 = tpu.memref_slice %arg7[%dma_start3A_538, %dma_start3A_539, %dma_start3A_540] : memref<3x32x1024xf32, #tpu.memory_space<vmem>> -> memref<1x8x1024xf32, #tpu.memory_space<vmem>>
    %dma_start3A_542 = tpu.memref_squeeze %dma_start3A_541 : memref<1x8x1024xf32, #tpu.memory_space<vmem>> -> memref<8x1024xf32, #tpu.memory_space<vmem>>
    %dma_start3A_543 = arith.constant 0 : i32
    %dma_start3A_544 = tpu.memref_slice %arg5[%add3A_537, %dma_start3A_543] : memref<32768x1024xf32, #tpu.memory_space<hbm>> -> memref<8x1024xf32, #tpu.memory_space<hbm>>
    %dma_start3A_545 = arith.constant 0 : i32
    %dma_start3A_546 = tpu.memref_slice %arg5[%add3A_537, %dma_start3A_545] : memref<32768x1024xf32, #tpu.memory_space<hbm>> -> memref<8x1024xf32, #tpu.memory_space<hbm>>
    %dma_start3A_547 = arith.constant 24 : i32
    %dma_start3A_548 = arith.constant 0 : i32
    %dma_start3A_549 = tpu.memref_slice %arg7[%dma_start3A_538, %dma_start3A_547, %dma_start3A_548] : memref<3x32x1024xf32, #tpu.memory_space<vmem>> -> memref<1x8x1024xf32, #tpu.memory_space<vmem>>
    %dma_start3A_550 = tpu.memref_squeeze %dma_start3A_549 : memref<1x8x1024xf32, #tpu.memory_space<vmem>> -> memref<8x1024xf32, #tpu.memory_space<vmem>>
    tpu.enqueue_dma source(%dma_start3A_550 : memref<8x1024xf32, #tpu.memory_space<vmem>>) target(%dma_start3A_546 : memref<8x1024xf32, #tpu.memory_space<hbm>>) target_semaphore(%arg12 : memref<!tpu.dma_semaphore, #tpu.memory_space<semaphore_mem>>)
    %scan3A = arith.constant 0 : i32
    %scan3A_551 = arith.constant 0 : i32
    %scan3A_552 = arith.constant 9 : i32
    %scan3A_553 = arith.addi %scan3A_551, %scan3A_552 : i32
    %scan3A_554 = arith.constant 1 : i32
    scf.for %scan3A_679 = %scan3A_551 to %scan3A_553 step %scan3A_554  : i32 {
      %mul3A_680 = arith.constant 3 : i32
      %mul3A_681 = arith.muli %mul3A_680, %scan3A_679 : i32
      %add3A_682 = arith.constant 4 : i32
      %add3A_683 = arith.addi %add3A_682, %mul3A_681 : i32
      %dma_wait3A_684 = arith.constant 2 : i32
      %dma_wait3A_685 = arith.constant 0 : i32
      %dma_wait3A_686 = arith.constant 0 : i32
      %dma_wait3A_687 = tpu.memref_slice %arg7[%dma_wait3A_684, %dma_wait3A_685, %dma_wait3A_686] : memref<3x32x1024xf32, #tpu.memory_space<vmem>> -> memref<1x32x1024xf32, #tpu.memory_space<vmem>>
      %dma_wait3A_688 = tpu.memref_squeeze %dma_wait3A_687 : memref<1x32x1024xf32, #tpu.memory_space<vmem>> -> memref<32x1024xf32, #tpu.memory_space<vmem>>
      %dma_wait3A_689 = arith.constant 0 : i32
      %dma_wait3A_690 = arith.constant 0 : i32
      %dma_wait3A_691 = tpu.memref_slice %arg5[%dma_wait3A_689, %dma_wait3A_690] : memref<32768x1024xf32, #tpu.memory_space<hbm>> -> memref<32x1024xf32, #tpu.memory_space<hbm>>
      %dma_wait3A_692 = arith.constant 0 : i32
      %dma_wait3A_693 = arith.constant 0 : i32
      %dma_wait3A_694 = tpu.memref_slice %arg5[%dma_wait3A_692, %dma_wait3A_693] : memref<32768x1024xf32, #tpu.memory_space<hbm>> -> memref<32x1024xf32, #tpu.memory_space<hbm>>
      %dma_wait3A_695 = arith.constant 0 : i32
      %dma_wait3A_696 = arith.constant 0 : i32
      %dma_wait3A_697 = tpu.memref_slice %arg7[%dma_wait3A_684, %dma_wait3A_695, %dma_wait3A_696] : memref<3x32x1024xf32, #tpu.memory_space<vmem>> -> memref<1x32x1024xf32, #tpu.memory_space<vmem>>
      %dma_wait3A_698 = tpu.memref_squeeze %dma_wait3A_697 : memref<1x32x1024xf32, #tpu.memory_space<vmem>> -> memref<32x1024xf32, #tpu.memory_space<vmem>>
      tpu.wait_dma2 semaphore(%arg14 : memref<!tpu.dma_semaphore, #tpu.memory_space<semaphore_mem>>) src(%dma_wait3A_698 : memref<32x1024xf32, #tpu.memory_space<vmem>>) dst(%dma_wait3A_694 : memref<32x1024xf32, #tpu.memory_space<hbm>>)
      %add3A_699 = arith.constant 1 : i32
      %add3A_700 = arith.addi %add3A_683, %add3A_699 : i32
      %mul3A_701 = arith.constant 8 : i32
      %mul3A_702 = arith.muli %add3A_700, %mul3A_701 : i32
      %add3A_703 = arith.constant 0 : i32
      %add3A_704 = arith.addi %add3A_703, %mul3A_702 : i32
      %dma_start3A_705 = arith.constant 2 : i32
      %dma_start3A_706 = arith.constant 0 : i32
      %dma_start3A_707 = arith.constant 0 : i32
      %dma_start3A_708 = tpu.memref_slice %arg7[%dma_start3A_705, %dma_start3A_706, %dma_start3A_707] : memref<3x32x1024xf32, #tpu.memory_space<vmem>> -> memref<1x8x1024xf32, #tpu.memory_space<vmem>>
      %dma_start3A_709 = tpu.memref_squeeze %dma_start3A_708 : memref<1x8x1024xf32, #tpu.memory_space<vmem>> -> memref<8x1024xf32, #tpu.memory_space<vmem>>
      %dma_start3A_710 = tpu.memref_slice %arg6[%add3A_704] : memref<1024xi32, #tpu.memory_space<vmem>> -> memref<8xi32, #tpu.memory_space<vmem>>
      %dma_start3A_711 = arith.constant 0 : i32
      %dma_start3A_712 = arith.constant 0 : i32
      %dma_start3A_713 = tpu.memref_slice %arg3[%dma_start3A_711, %dma_start3A_712] : memref<100000x1024xf32, #tpu.memory_space<hbm>> -> memref<100000x1024xf32, #tpu.memory_space<hbm>>
      tpu.enqueue_indirect_dma source(%dma_start3A_713 : memref<100000x1024xf32, #tpu.memory_space<hbm>>) target(%dma_start3A_709 : memref<8x1024xf32, #tpu.memory_space<vmem>>) offsets(%dma_start3A_710 : memref<8xi32, #tpu.memory_space<vmem>>) semaphore(%arg11 : memref<!tpu.dma_semaphore, #tpu.memory_space<semaphore_mem>>)
      %mul3A_714 = arith.constant 8 : i32
      %mul3A_715 = arith.muli %add3A_700, %mul3A_714 : i32
      %add3A_716 = arith.constant 256 : i32
      %add3A_717 = arith.addi %add3A_716, %mul3A_715 : i32
      %dma_start3A_718 = arith.constant 2 : i32
      %dma_start3A_719 = arith.constant 8 : i32
      %dma_start3A_720 = arith.constant 0 : i32
      %dma_start3A_721 = tpu.memref_slice %arg7[%dma_start3A_718, %dma_start3A_719, %dma_start3A_720] : memref<3x32x1024xf32, #tpu.memory_space<vmem>> -> memref<1x8x1024xf32, #tpu.memory_space<vmem>>
      %dma_start3A_722 = tpu.memref_squeeze %dma_start3A_721 : memref<1x8x1024xf32, #tpu.memory_space<vmem>> -> memref<8x1024xf32, #tpu.memory_space<vmem>>
      %dma_start3A_723 = tpu.memref_slice %arg6[%add3A_717] : memref<1024xi32, #tpu.memory_space<vmem>> -> memref<8xi32, #tpu.memory_space<vmem>>
      %dma_start3A_724 = arith.constant 0 : i32
      %dma_start3A_725 = arith.constant 0 : i32
      %dma_start3A_726 = tpu.memref_slice %arg3[%dma_start3A_724, %dma_start3A_725] : memref<100000x1024xf32, #tpu.memory_space<hbm>> -> memref<100000x1024xf32, #tpu.memory_space<hbm>>
      tpu.enqueue_indirect_dma source(%dma_start3A_726 : memref<100000x1024xf32, #tpu.memory_space<hbm>>) target(%dma_start3A_722 : memref<8x1024xf32, #tpu.memory_space<vmem>>) offsets(%dma_start3A_723 : memref<8xi32, #tpu.memory_space<vmem>>) semaphore(%arg11 : memref<!tpu.dma_semaphore, #tpu.memory_space<semaphore_mem>>)
      %mul3A_727 = arith.constant 8 : i32
      %mul3A_728 = arith.muli %add3A_700, %mul3A_727 : i32
      %add3A_729 = arith.constant 512 : i32
      %add3A_730 = arith.addi %add3A_729, %mul3A_728 : i32
      %dma_start3A_731 = arith.constant 2 : i32
      %dma_start3A_732 = arith.constant 16 : i32
      %dma_start3A_733 = arith.constant 0 : i32
      %dma_start3A_734 = tpu.memref_slice %arg7[%dma_start3A_731, %dma_start3A_732, %dma_start3A_733] : memref<3x32x1024xf32, #tpu.memory_space<vmem>> -> memref<1x8x1024xf32, #tpu.memory_space<vmem>>
      %dma_start3A_735 = tpu.memref_squeeze %dma_start3A_734 : memref<1x8x1024xf32, #tpu.memory_space<vmem>> -> memref<8x1024xf32, #tpu.memory_space<vmem>>
      %dma_start3A_736 = tpu.memref_slice %arg6[%add3A_730] : memref<1024xi32, #tpu.memory_space<vmem>> -> memref<8xi32, #tpu.memory_space<vmem>>
      %dma_start3A_737 = arith.constant 0 : i32
      %dma_start3A_738 = arith.constant 0 : i32
      %dma_start3A_739 = tpu.memref_slice %arg3[%dma_start3A_737, %dma_start3A_738] : memref<100000x1024xf32, #tpu.memory_space<hbm>> -> memref<100000x1024xf32, #tpu.memory_space<hbm>>
      tpu.enqueue_indirect_dma source(%dma_start3A_739 : memref<100000x1024xf32, #tpu.memory_space<hbm>>) target(%dma_start3A_735 : memref<8x1024xf32, #tpu.memory_space<vmem>>) offsets(%dma_start3A_736 : memref<8xi32, #tpu.memory_space<vmem>>) semaphore(%arg11 : memref<!tpu.dma_semaphore, #tpu.memory_space<semaphore_mem>>)
      %mul3A_740 = arith.constant 8 : i32
      %mul3A_741 = arith.muli %add3A_700, %mul3A_740 : i32
      %add3A_742 = arith.constant 768 : i32
      %add3A_743 = arith.addi %add3A_742, %mul3A_741 : i32
      %dma_start3A_744 = arith.constant 2 : i32
      %dma_start3A_745 = arith.constant 24 : i32
      %dma_start3A_746 = arith.constant 0 : i32
      %dma_start3A_747 = tpu.memref_slice %arg7[%dma_start3A_744, %dma_start3A_745, %dma_start3A_746] : memref<3x32x1024xf32, #tpu.memory_space<vmem>> -> memref<1x8x1024xf32, #tpu.memory_space<vmem>>
      %dma_start3A_748 = tpu.memref_squeeze %dma_start3A_747 : memref<1x8x1024xf32, #tpu.memory_space<vmem>> -> memref<8x1024xf32, #tpu.memory_space<vmem>>
      %dma_start3A_749 = tpu.memref_slice %arg6[%add3A_743] : memref<1024xi32, #tpu.memory_space<vmem>> -> memref<8xi32, #tpu.memory_space<vmem>>
      %dma_start3A_750 = arith.constant 0 : i32
      %dma_start3A_751 = arith.constant 0 : i32
      %dma_start3A_752 = tpu.memref_slice %arg3[%dma_start3A_750, %dma_start3A_751] : memref<100000x1024xf32, #tpu.memory_space<hbm>> -> memref<100000x1024xf32, #tpu.memory_space<hbm>>
      tpu.enqueue_indirect_dma source(%dma_start3A_752 : memref<100000x1024xf32, #tpu.memory_space<hbm>>) target(%dma_start3A_748 : memref<8x1024xf32, #tpu.memory_space<vmem>>) offsets(%dma_start3A_749 : memref<8xi32, #tpu.memory_space<vmem>>) semaphore(%arg11 : memref<!tpu.dma_semaphore, #tpu.memory_space<semaphore_mem>>)
      %dma_wait3A_753 = arith.constant 1 : i32
      %dma_wait3A_754 = arith.constant 0 : i32
      %dma_wait3A_755 = arith.constant 0 : i32
      %dma_wait3A_756 = tpu.memref_slice %arg7[%dma_wait3A_753, %dma_wait3A_754, %dma_wait3A_755] : memref<3x32x1024xf32, #tpu.memory_space<vmem>> -> memref<1x32x1024xf32, #tpu.memory_space<vmem>>
      %dma_wait3A_757 = tpu.memref_squeeze %dma_wait3A_756 : memref<1x32x1024xf32, #tpu.memory_space<vmem>> -> memref<32x1024xf32, #tpu.memory_space<vmem>>
      %dma_wait3A_758 = arith.constant 0 : i32
      %dma_wait3A_759 = tpu.memref_slice %arg6[%dma_wait3A_758] : memref<1024xi32, #tpu.memory_space<vmem>> -> memref<32xi32, #tpu.memory_space<vmem>>
      %dma_wait3A_760 = arith.constant 0 : i32
      %dma_wait3A_761 = arith.constant 0 : i32
      %dma_wait3A_762 = tpu.memref_slice %arg3[%dma_wait3A_760, %dma_wait3A_761] : memref<100000x1024xf32, #tpu.memory_space<hbm>> -> memref<100000x1024xf32, #tpu.memory_space<hbm>>
      tpu.wait_indirect_dma semaphore(%arg10 : memref<!tpu.dma_semaphore, #tpu.memory_space<semaphore_mem>>) src(%dma_wait3A_762 : memref<100000x1024xf32, #tpu.memory_space<hbm>>) dst(%dma_wait3A_757 : memref<32x1024xf32, #tpu.memory_space<vmem>>)
      %add3A_763 = arith.constant 0 : i32
      %add3A_764 = arith.addi %add3A_763, %mul3A_2 : i32
      %mul3A_765 = arith.constant 8 : i32
      %mul3A_766 = arith.muli %add3A_683, %mul3A_765 : i32
      %add3A_767 = arith.addi %add3A_764, %mul3A_766 : i32
      %dma_start3A_768 = arith.constant 1 : i32
      %dma_start3A_769 = arith.constant 0 : i32
      %dma_start3A_770 = arith.constant 0 : i32
      %dma_start3A_771 = tpu.memref_slice %arg7[%dma_start3A_768, %dma_start3A_769, %dma_start3A_770] : memref<3x32x1024xf32, #tpu.memory_space<vmem>> -> memref<1x8x1024xf32, #tpu.memory_space<vmem>>
      %dma_start3A_772 = tpu.memref_squeeze %dma_start3A_771 : memref<1x8x1024xf32, #tpu.memory_space<vmem>> -> memref<8x1024xf32, #tpu.memory_space<vmem>>
      %dma_start3A_773 = arith.constant 0 : i32
      %dma_start3A_774 = tpu.memref_slice %arg5[%add3A_767, %dma_start3A_773] : memref<32768x1024xf32, #tpu.memory_space<hbm>> -> memref<8x1024xf32, #tpu.memory_space<hbm>>
      %dma_start3A_775 = arith.constant 0 : i32
      %dma_start3A_776 = tpu.memref_slice %arg5[%add3A_767, %dma_start3A_775] : memref<32768x1024xf32, #tpu.memory_space<hbm>> -> memref<8x1024xf32, #tpu.memory_space<hbm>>
      %dma_start3A_777 = arith.constant 0 : i32
      %dma_start3A_778 = arith.constant 0 : i32
      %dma_start3A_779 = tpu.memref_slice %arg7[%dma_start3A_768, %dma_start3A_777, %dma_start3A_778] : memref<3x32x1024xf32, #tpu.memory_space<vmem>> -> memref<1x8x1024xf32, #tpu.memory_space<vmem>>
      %dma_start3A_780 = tpu.memref_squeeze %dma_start3A_779 : memref<1x8x1024xf32, #tpu.memory_space<vmem>> -> memref<8x1024xf32, #tpu.memory_space<vmem>>
      tpu.enqueue_dma source(%dma_start3A_780 : memref<8x1024xf32, #tpu.memory_space<vmem>>) target(%dma_start3A_776 : memref<8x1024xf32, #tpu.memory_space<hbm>>) target_semaphore(%arg13 : memref<!tpu.dma_semaphore, #tpu.memory_space<semaphore_mem>>)
      %add3A_781 = arith.constant 8192 : i32
      %add3A_782 = arith.addi %add3A_781, %mul3A_2 : i32
      %mul3A_783 = arith.constant 8 : i32
      %mul3A_784 = arith.muli %add3A_683, %mul3A_783 : i32
      %add3A_785 = arith.addi %add3A_782, %mul3A_784 : i32
      %dma_start3A_786 = arith.constant 1 : i32
      %dma_start3A_787 = arith.constant 8 : i32
      %dma_start3A_788 = arith.constant 0 : i32
      %dma_start3A_789 = tpu.memref_slice %arg7[%dma_start3A_786, %dma_start3A_787, %dma_start3A_788] : memref<3x32x1024xf32, #tpu.memory_space<vmem>> -> memref<1x8x1024xf32, #tpu.memory_space<vmem>>
      %dma_start3A_790 = tpu.memref_squeeze %dma_start3A_789 : memref<1x8x1024xf32, #tpu.memory_space<vmem>> -> memref<8x1024xf32, #tpu.memory_space<vmem>>
      %dma_start3A_791 = arith.constant 0 : i32
      %dma_start3A_792 = tpu.memref_slice %arg5[%add3A_785, %dma_start3A_791] : memref<32768x1024xf32, #tpu.memory_space<hbm>> -> memref<8x1024xf32, #tpu.memory_space<hbm>>
      %dma_start3A_793 = arith.constant 0 : i32
      %dma_start3A_794 = tpu.memref_slice %arg5[%add3A_785, %dma_start3A_793] : memref<32768x1024xf32, #tpu.memory_space<hbm>> -> memref<8x1024xf32, #tpu.memory_space<hbm>>
      %dma_start3A_795 = arith.constant 8 : i32
      %dma_start3A_796 = arith.constant 0 : i32
      %dma_start3A_797 = tpu.memref_slice %arg7[%dma_start3A_786, %dma_start3A_795, %dma_start3A_796] : memref<3x32x1024xf32, #tpu.memory_space<vmem>> -> memref<1x8x1024xf32, #tpu.memory_space<vmem>>
      %dma_start3A_798 = tpu.memref_squeeze %dma_start3A_797 : memref<1x8x1024xf32, #tpu.memory_space<vmem>> -> memref<8x1024xf32, #tpu.memory_space<vmem>>
      tpu.enqueue_dma source(%dma_start3A_798 : memref<8x1024xf32, #tpu.memory_space<vmem>>) target(%dma_start3A_794 : memref<8x1024xf32, #tpu.memory_space<hbm>>) target_semaphore(%arg13 : memref<!tpu.dma_semaphore, #tpu.memory_space<semaphore_mem>>)
      %add3A_799 = arith.constant 16384 : i32
      %add3A_800 = arith.addi %add3A_799, %mul3A_2 : i32
      %mul3A_801 = arith.constant 8 : i32
      %mul3A_802 = arith.muli %add3A_683, %mul3A_801 : i32
      %add3A_803 = arith.addi %add3A_800, %mul3A_802 : i32
      %dma_start3A_804 = arith.constant 1 : i32
      %dma_start3A_805 = arith.constant 16 : i32
      %dma_start3A_806 = arith.constant 0 : i32
      %dma_start3A_807 = tpu.memref_slice %arg7[%dma_start3A_804, %dma_start3A_805, %dma_start3A_806] : memref<3x32x1024xf32, #tpu.memory_space<vmem>> -> memref<1x8x1024xf32, #tpu.memory_space<vmem>>
      %dma_start3A_808 = tpu.memref_squeeze %dma_start3A_807 : memref<1x8x1024xf32, #tpu.memory_space<vmem>> -> memref<8x1024xf32, #tpu.memory_space<vmem>>
      %dma_start3A_809 = arith.constant 0 : i32
      %dma_start3A_810 = tpu.memref_slice %arg5[%add3A_803, %dma_start3A_809] : memref<32768x1024xf32, #tpu.memory_space<hbm>> -> memref<8x1024xf32, #tpu.memory_space<hbm>>
      %dma_start3A_811 = arith.constant 0 : i32
      %dma_start3A_812 = tpu.memref_slice %arg5[%add3A_803, %dma_start3A_811] : memref<32768x1024xf32, #tpu.memory_space<hbm>> -> memref<8x1024xf32, #tpu.memory_space<hbm>>
      %dma_start3A_813 = arith.constant 16 : i32
      %dma_start3A_814 = arith.constant 0 : i32
      %dma_start3A_815 = tpu.memref_slice %arg7[%dma_start3A_804, %dma_start3A_813, %dma_start3A_814] : memref<3x32x1024xf32, #tpu.memory_space<vmem>> -> memref<1x8x1024xf32, #tpu.memory_space<vmem>>
      %dma_start3A_816 = tpu.memref_squeeze %dma_start3A_815 : memref<1x8x1024xf32, #tpu.memory_space<vmem>> -> memref<8x1024xf32, #tpu.memory_space<vmem>>
      tpu.enqueue_dma source(%dma_start3A_816 : memref<8x1024xf32, #tpu.memory_space<vmem>>) target(%dma_start3A_812 : memref<8x1024xf32, #tpu.memory_space<hbm>>) target_semaphore(%arg13 : memref<!tpu.dma_semaphore, #tpu.memory_space<semaphore_mem>>)
      %add3A_817 = arith.constant 24576 : i32
      %add3A_818 = arith.addi %add3A_817, %mul3A_2 : i32
      %mul3A_819 = arith.constant 8 : i32
      %mul3A_820 = arith.muli %add3A_683, %mul3A_819 : i32
      %add3A_821 = arith.addi %add3A_818, %mul3A_820 : i32
      %dma_start3A_822 = arith.constant 1 : i32
      %dma_start3A_823 = arith.constant 24 : i32
      %dma_start3A_824 = arith.constant 0 : i32
      %dma_start3A_825 = tpu.memref_slice %arg7[%dma_start3A_822, %dma_start3A_823, %dma_start3A_824] : memref<3x32x1024xf32, #tpu.memory_space<vmem>> -> memref<1x8x1024xf32, #tpu.memory_space<vmem>>
      %dma_start3A_826 = tpu.memref_squeeze %dma_start3A_825 : memref<1x8x1024xf32, #tpu.memory_space<vmem>> -> memref<8x1024xf32, #tpu.memory_space<vmem>>
      %dma_start3A_827 = arith.constant 0 : i32
      %dma_start3A_828 = tpu.memref_slice %arg5[%add3A_821, %dma_start3A_827] : memref<32768x1024xf32, #tpu.memory_space<hbm>> -> memref<8x1024xf32, #tpu.memory_space<hbm>>
      %dma_start3A_829 = arith.constant 0 : i32
      %dma_start3A_830 = tpu.memref_slice %arg5[%add3A_821, %dma_start3A_829] : memref<32768x1024xf32, #tpu.memory_space<hbm>> -> memref<8x1024xf32, #tpu.memory_space<hbm>>
      %dma_start3A_831 = arith.constant 24 : i32
      %dma_start3A_832 = arith.constant 0 : i32
      %dma_start3A_833 = tpu.memref_slice %arg7[%dma_start3A_822, %dma_start3A_831, %dma_start3A_832] : memref<3x32x1024xf32, #tpu.memory_space<vmem>> -> memref<1x8x1024xf32, #tpu.memory_space<vmem>>
      %dma_start3A_834 = tpu.memref_squeeze %dma_start3A_833 : memref<1x8x1024xf32, #tpu.memory_space<vmem>> -> memref<8x1024xf32, #tpu.memory_space<vmem>>
      tpu.enqueue_dma source(%dma_start3A_834 : memref<8x1024xf32, #tpu.memory_space<vmem>>) target(%dma_start3A_830 : memref<8x1024xf32, #tpu.memory_space<hbm>>) target_semaphore(%arg13 : memref<!tpu.dma_semaphore, #tpu.memory_space<semaphore_mem>>)
      %add3A_835 = arith.constant 1 : i32
      %add3A_836 = arith.addi %add3A_683, %add3A_835 : i32
      %dma_wait3A_837 = arith.constant 0 : i32
      %dma_wait3A_838 = arith.constant 0 : i32
      %dma_wait3A_839 = arith.constant 0 : i32
      %dma_wait3A_840 = tpu.memref_slice %arg7[%dma_wait3A_837, %dma_wait3A_838, %dma_wait3A_839] : memref<3x32x1024xf32, #tpu.memory_space<vmem>> -> memref<1x32x1024xf32, #tpu.memory_space<vmem>>
      %dma_wait3A_841 = tpu.memref_squeeze %dma_wait3A_840 : memref<1x32x1024xf32, #tpu.memory_space<vmem>> -> memref<32x1024xf32, #tpu.memory_space<vmem>>
      %dma_wait3A_842 = arith.constant 0 : i32
      %dma_wait3A_843 = arith.constant 0 : i32
      %dma_wait3A_844 = tpu.memref_slice %arg5[%dma_wait3A_842, %dma_wait3A_843] : memref<32768x1024xf32, #tpu.memory_space<hbm>> -> memref<32x1024xf32, #tpu.memory_space<hbm>>
      %dma_wait3A_845 = arith.constant 0 : i32
      %dma_wait3A_846 = arith.constant 0 : i32
      %dma_wait3A_847 = tpu.memref_slice %arg5[%dma_wait3A_845, %dma_wait3A_846] : memref<32768x1024xf32, #tpu.memory_space<hbm>> -> memref<32x1024xf32, #tpu.memory_space<hbm>>
      %dma_wait3A_848 = arith.constant 0 : i32
      %dma_wait3A_849 = arith.constant 0 : i32
      %dma_wait3A_850 = tpu.memref_slice %arg7[%dma_wait3A_837, %dma_wait3A_848, %dma_wait3A_849] : memref<3x32x1024xf32, #tpu.memory_space<vmem>> -> memref<1x32x1024xf32, #tpu.memory_space<vmem>>
      %dma_wait3A_851 = tpu.memref_squeeze %dma_wait3A_850 : memref<1x32x1024xf32, #tpu.memory_space<vmem>> -> memref<32x1024xf32, #tpu.memory_space<vmem>>
      tpu.wait_dma2 semaphore(%arg12 : memref<!tpu.dma_semaphore, #tpu.memory_space<semaphore_mem>>) src(%dma_wait3A_851 : memref<32x1024xf32, #tpu.memory_space<vmem>>) dst(%dma_wait3A_847 : memref<32x1024xf32, #tpu.memory_space<hbm>>)
      %add3A_852 = arith.constant 1 : i32
      %add3A_853 = arith.addi %add3A_836, %add3A_852 : i32
      %mul3A_854 = arith.constant 8 : i32
      %mul3A_855 = arith.muli %add3A_853, %mul3A_854 : i32
      %add3A_856 = arith.constant 0 : i32
      %add3A_857 = arith.addi %add3A_856, %mul3A_855 : i32
      %dma_start3A_858 = arith.constant 0 : i32
      %dma_start3A_859 = arith.constant 0 : i32
      %dma_start3A_860 = arith.constant 0 : i32
      %dma_start3A_861 = tpu.memref_slice %arg7[%dma_start3A_858, %dma_start3A_859, %dma_start3A_860] : memref<3x32x1024xf32, #tpu.memory_space<vmem>> -> memref<1x8x1024xf32, #tpu.memory_space<vmem>>
      %dma_start3A_862 = tpu.memref_squeeze %dma_start3A_861 : memref<1x8x1024xf32, #tpu.memory_space<vmem>> -> memref<8x1024xf32, #tpu.memory_space<vmem>>
      %dma_start3A_863 = tpu.memref_slice %arg6[%add3A_857] : memref<1024xi32, #tpu.memory_space<vmem>> -> memref<8xi32, #tpu.memory_space<vmem>>
      %dma_start3A_864 = arith.constant 0 : i32
      %dma_start3A_865 = arith.constant 0 : i32
      %dma_start3A_866 = tpu.memref_slice %arg3[%dma_start3A_864, %dma_start3A_865] : memref<100000x1024xf32, #tpu.memory_space<hbm>> -> memref<100000x1024xf32, #tpu.memory_space<hbm>>
      tpu.enqueue_indirect_dma source(%dma_start3A_866 : memref<100000x1024xf32, #tpu.memory_space<hbm>>) target(%dma_start3A_862 : memref<8x1024xf32, #tpu.memory_space<vmem>>) offsets(%dma_start3A_863 : memref<8xi32, #tpu.memory_space<vmem>>) semaphore(%arg9 : memref<!tpu.dma_semaphore, #tpu.memory_space<semaphore_mem>>)
      %mul3A_867 = arith.constant 8 : i32
      %mul3A_868 = arith.muli %add3A_853, %mul3A_867 : i32
      %add3A_869 = arith.constant 256 : i32
      %add3A_870 = arith.addi %add3A_869, %mul3A_868 : i32
      %dma_start3A_871 = arith.constant 0 : i32
      %dma_start3A_872 = arith.constant 8 : i32
      %dma_start3A_873 = arith.constant 0 : i32
      %dma_start3A_874 = tpu.memref_slice %arg7[%dma_start3A_871, %dma_start3A_872, %dma_start3A_873] : memref<3x32x1024xf32, #tpu.memory_space<vmem>> -> memref<1x8x1024xf32, #tpu.memory_space<vmem>>
      %dma_start3A_875 = tpu.memref_squeeze %dma_start3A_874 : memref<1x8x1024xf32, #tpu.memory_space<vmem>> -> memref<8x1024xf32, #tpu.memory_space<vmem>>
      %dma_start3A_876 = tpu.memref_slice %arg6[%add3A_870] : memref<1024xi32, #tpu.memory_space<vmem>> -> memref<8xi32, #tpu.memory_space<vmem>>
      %dma_start3A_877 = arith.constant 0 : i32
      %dma_start3A_878 = arith.constant 0 : i32
      %dma_start3A_879 = tpu.memref_slice %arg3[%dma_start3A_877, %dma_start3A_878] : memref<100000x1024xf32, #tpu.memory_space<hbm>> -> memref<100000x1024xf32, #tpu.memory_space<hbm>>
      tpu.enqueue_indirect_dma source(%dma_start3A_879 : memref<100000x1024xf32, #tpu.memory_space<hbm>>) target(%dma_start3A_875 : memref<8x1024xf32, #tpu.memory_space<vmem>>) offsets(%dma_start3A_876 : memref<8xi32, #tpu.memory_space<vmem>>) semaphore(%arg9 : memref<!tpu.dma_semaphore, #tpu.memory_space<semaphore_mem>>)
      %mul3A_880 = arith.constant 8 : i32
      %mul3A_881 = arith.muli %add3A_853, %mul3A_880 : i32
      %add3A_882 = arith.constant 512 : i32
      %add3A_883 = arith.addi %add3A_882, %mul3A_881 : i32
      %dma_start3A_884 = arith.constant 0 : i32
      %dma_start3A_885 = arith.constant 16 : i32
      %dma_start3A_886 = arith.constant 0 : i32
      %dma_start3A_887 = tpu.memref_slice %arg7[%dma_start3A_884, %dma_start3A_885, %dma_start3A_886] : memref<3x32x1024xf32, #tpu.memory_space<vmem>> -> memref<1x8x1024xf32, #tpu.memory_space<vmem>>
      %dma_start3A_888 = tpu.memref_squeeze %dma_start3A_887 : memref<1x8x1024xf32, #tpu.memory_space<vmem>> -> memref<8x1024xf32, #tpu.memory_space<vmem>>
      %dma_start3A_889 = tpu.memref_slice %arg6[%add3A_883] : memref<1024xi32, #tpu.memory_space<vmem>> -> memref<8xi32, #tpu.memory_space<vmem>>
      %dma_start3A_890 = arith.constant 0 : i32
      %dma_start3A_891 = arith.constant 0 : i32
      %dma_start3A_892 = tpu.memref_slice %arg3[%dma_start3A_890, %dma_start3A_891] : memref<100000x1024xf32, #tpu.memory_space<hbm>> -> memref<100000x1024xf32, #tpu.memory_space<hbm>>
      tpu.enqueue_indirect_dma source(%dma_start3A_892 : memref<100000x1024xf32, #tpu.memory_space<hbm>>) target(%dma_start3A_888 : memref<8x1024xf32, #tpu.memory_space<vmem>>) offsets(%dma_start3A_889 : memref<8xi32, #tpu.memory_space<vmem>>) semaphore(%arg9 : memref<!tpu.dma_semaphore, #tpu.memory_space<semaphore_mem>>)
      %mul3A_893 = arith.constant 8 : i32
      %mul3A_894 = arith.muli %add3A_853, %mul3A_893 : i32
      %add3A_895 = arith.constant 768 : i32
      %add3A_896 = arith.addi %add3A_895, %mul3A_894 : i32
      %dma_start3A_897 = arith.constant 0 : i32
      %dma_start3A_898 = arith.constant 24 : i32
      %dma_start3A_899 = arith.constant 0 : i32
      %dma_start3A_900 = tpu.memref_slice %arg7[%dma_start3A_897, %dma_start3A_898, %dma_start3A_899] : memref<3x32x1024xf32, #tpu.memory_space<vmem>> -> memref<1x8x1024xf32, #tpu.memory_space<vmem>>
      %dma_start3A_901 = tpu.memref_squeeze %dma_start3A_900 : memref<1x8x1024xf32, #tpu.memory_space<vmem>> -> memref<8x1024xf32, #tpu.memory_space<vmem>>
      %dma_start3A_902 = tpu.memref_slice %arg6[%add3A_896] : memref<1024xi32, #tpu.memory_space<vmem>> -> memref<8xi32, #tpu.memory_space<vmem>>
      %dma_start3A_903 = arith.constant 0 : i32
      %dma_start3A_904 = arith.constant 0 : i32
      %dma_start3A_905 = tpu.memref_slice %arg3[%dma_start3A_903, %dma_start3A_904] : memref<100000x1024xf32, #tpu.memory_space<hbm>> -> memref<100000x1024xf32, #tpu.memory_space<hbm>>
      tpu.enqueue_indirect_dma source(%dma_start3A_905 : memref<100000x1024xf32, #tpu.memory_space<hbm>>) target(%dma_start3A_901 : memref<8x1024xf32, #tpu.memory_space<vmem>>) offsets(%dma_start3A_902 : memref<8xi32, #tpu.memory_space<vmem>>) semaphore(%arg9 : memref<!tpu.dma_semaphore, #tpu.memory_space<semaphore_mem>>)
      %dma_wait3A_906 = arith.constant 2 : i32
      %dma_wait3A_907 = arith.constant 0 : i32
      %dma_wait3A_908 = arith.constant 0 : i32
      %dma_wait3A_909 = tpu.memref_slice %arg7[%dma_wait3A_906, %dma_wait3A_907, %dma_wait3A_908] : memref<3x32x1024xf32, #tpu.memory_space<vmem>> -> memref<1x32x1024xf32, #tpu.memory_space<vmem>>
      %dma_wait3A_910 = tpu.memref_squeeze %dma_wait3A_909 : memref<1x32x1024xf32, #tpu.memory_space<vmem>> -> memref<32x1024xf32, #tpu.memory_space<vmem>>
      %dma_wait3A_911 = arith.constant 0 : i32
      %dma_wait3A_912 = tpu.memref_slice %arg6[%dma_wait3A_911] : memref<1024xi32, #tpu.memory_space<vmem>> -> memref<32xi32, #tpu.memory_space<vmem>>
      %dma_wait3A_913 = arith.constant 0 : i32
      %dma_wait3A_914 = arith.constant 0 : i32
      %dma_wait3A_915 = tpu.memref_slice %arg3[%dma_wait3A_913, %dma_wait3A_914] : memref<100000x1024xf32, #tpu.memory_space<hbm>> -> memref<100000x1024xf32, #tpu.memory_space<hbm>>
      tpu.wait_indirect_dma semaphore(%arg11 : memref<!tpu.dma_semaphore, #tpu.memory_space<semaphore_mem>>) src(%dma_wait3A_915 : memref<100000x1024xf32, #tpu.memory_space<hbm>>) dst(%dma_wait3A_910 : memref<32x1024xf32, #tpu.memory_space<vmem>>)
      %add3A_916 = arith.constant 0 : i32
      %add3A_917 = arith.addi %add3A_916, %mul3A_2 : i32
      %mul3A_918 = arith.constant 8 : i32
      %mul3A_919 = arith.muli %add3A_836, %mul3A_918 : i32
      %add3A_920 = arith.addi %add3A_917, %mul3A_919 : i32
      %dma_start3A_921 = arith.constant 2 : i32
      %dma_start3A_922 = arith.constant 0 : i32
      %dma_start3A_923 = arith.constant 0 : i32
      %dma_start3A_924 = tpu.memref_slice %arg7[%dma_start3A_921, %dma_start3A_922, %dma_start3A_923] : memref<3x32x1024xf32, #tpu.memory_space<vmem>> -> memref<1x8x1024xf32, #tpu.memory_space<vmem>>
      %dma_start3A_925 = tpu.memref_squeeze %dma_start3A_924 : memref<1x8x1024xf32, #tpu.memory_space<vmem>> -> memref<8x1024xf32, #tpu.memory_space<vmem>>
      %dma_start3A_926 = arith.constant 0 : i32
      %dma_start3A_927 = tpu.memref_slice %arg5[%add3A_920, %dma_start3A_926] : memref<32768x1024xf32, #tpu.memory_space<hbm>> -> memref<8x1024xf32, #tpu.memory_space<hbm>>
      %dma_start3A_928 = arith.constant 0 : i32
      %dma_start3A_929 = tpu.memref_slice %arg5[%add3A_920, %dma_start3A_928] : memref<32768x1024xf32, #tpu.memory_space<hbm>> -> memref<8x1024xf32, #tpu.memory_space<hbm>>
      %dma_start3A_930 = arith.constant 0 : i32
      %dma_start3A_931 = arith.constant 0 : i32
      %dma_start3A_932 = tpu.memref_slice %arg7[%dma_start3A_921, %dma_start3A_930, %dma_start3A_931] : memref<3x32x1024xf32, #tpu.memory_space<vmem>> -> memref<1x8x1024xf32, #tpu.memory_space<vmem>>
      %dma_start3A_933 = tpu.memref_squeeze %dma_start3A_932 : memref<1x8x1024xf32, #tpu.memory_space<vmem>> -> memref<8x1024xf32, #tpu.memory_space<vmem>>
      tpu.enqueue_dma source(%dma_start3A_933 : memref<8x1024xf32, #tpu.memory_space<vmem>>) target(%dma_start3A_929 : memref<8x1024xf32, #tpu.memory_space<hbm>>) target_semaphore(%arg14 : memref<!tpu.dma_semaphore, #tpu.memory_space<semaphore_mem>>)
      %add3A_934 = arith.constant 8192 : i32
      %add3A_935 = arith.addi %add3A_934, %mul3A_2 : i32
      %mul3A_936 = arith.constant 8 : i32
      %mul3A_937 = arith.muli %add3A_836, %mul3A_936 : i32
      %add3A_938 = arith.addi %add3A_935, %mul3A_937 : i32
      %dma_start3A_939 = arith.constant 2 : i32
      %dma_start3A_940 = arith.constant 8 : i32
      %dma_start3A_941 = arith.constant 0 : i32
      %dma_start3A_942 = tpu.memref_slice %arg7[%dma_start3A_939, %dma_start3A_940, %dma_start3A_941] : memref<3x32x1024xf32, #tpu.memory_space<vmem>> -> memref<1x8x1024xf32, #tpu.memory_space<vmem>>
      %dma_start3A_943 = tpu.memref_squeeze %dma_start3A_942 : memref<1x8x1024xf32, #tpu.memory_space<vmem>> -> memref<8x1024xf32, #tpu.memory_space<vmem>>
      %dma_start3A_944 = arith.constant 0 : i32
      %dma_start3A_945 = tpu.memref_slice %arg5[%add3A_938, %dma_start3A_944] : memref<32768x1024xf32, #tpu.memory_space<hbm>> -> memref<8x1024xf32, #tpu.memory_space<hbm>>
      %dma_start3A_946 = arith.constant 0 : i32
      %dma_start3A_947 = tpu.memref_slice %arg5[%add3A_938, %dma_start3A_946] : memref<32768x1024xf32, #tpu.memory_space<hbm>> -> memref<8x1024xf32, #tpu.memory_space<hbm>>
      %dma_start3A_948 = arith.constant 8 : i32
      %dma_start3A_949 = arith.constant 0 : i32
      %dma_start3A_950 = tpu.memref_slice %arg7[%dma_start3A_939, %dma_start3A_948, %dma_start3A_949] : memref<3x32x1024xf32, #tpu.memory_space<vmem>> -> memref<1x8x1024xf32, #tpu.memory_space<vmem>>
      %dma_start3A_951 = tpu.memref_squeeze %dma_start3A_950 : memref<1x8x1024xf32, #tpu.memory_space<vmem>> -> memref<8x1024xf32, #tpu.memory_space<vmem>>
      tpu.enqueue_dma source(%dma_start3A_951 : memref<8x1024xf32, #tpu.memory_space<vmem>>) target(%dma_start3A_947 : memref<8x1024xf32, #tpu.memory_space<hbm>>) target_semaphore(%arg14 : memref<!tpu.dma_semaphore, #tpu.memory_space<semaphore_mem>>)
      %add3A_952 = arith.constant 16384 : i32
      %add3A_953 = arith.addi %add3A_952, %mul3A_2 : i32
      %mul3A_954 = arith.constant 8 : i32
      %mul3A_955 = arith.muli %add3A_836, %mul3A_954 : i32
      %add3A_956 = arith.addi %add3A_953, %mul3A_955 : i32
      %dma_start3A_957 = arith.constant 2 : i32
      %dma_start3A_958 = arith.constant 16 : i32
      %dma_start3A_959 = arith.constant 0 : i32
      %dma_start3A_960 = tpu.memref_slice %arg7[%dma_start3A_957, %dma_start3A_958, %dma_start3A_959] : memref<3x32x1024xf32, #tpu.memory_space<vmem>> -> memref<1x8x1024xf32, #tpu.memory_space<vmem>>
      %dma_start3A_961 = tpu.memref_squeeze %dma_start3A_960 : memref<1x8x1024xf32, #tpu.memory_space<vmem>> -> memref<8x1024xf32, #tpu.memory_space<vmem>>
      %dma_start3A_962 = arith.constant 0 : i32
      %dma_start3A_963 = tpu.memref_slice %arg5[%add3A_956, %dma_start3A_962] : memref<32768x1024xf32, #tpu.memory_space<hbm>> -> memref<8x1024xf32, #tpu.memory_space<hbm>>
      %dma_start3A_964 = arith.constant 0 : i32
      %dma_start3A_965 = tpu.memref_slice %arg5[%add3A_956, %dma_start3A_964] : memref<32768x1024xf32, #tpu.memory_space<hbm>> -> memref<8x1024xf32, #tpu.memory_space<hbm>>
      %dma_start3A_966 = arith.constant 16 : i32
      %dma_start3A_967 = arith.constant 0 : i32
      %dma_start3A_968 = tpu.memref_slice %arg7[%dma_start3A_957, %dma_start3A_966, %dma_start3A_967] : memref<3x32x1024xf32, #tpu.memory_space<vmem>> -> memref<1x8x1024xf32, #tpu.memory_space<vmem>>
      %dma_start3A_969 = tpu.memref_squeeze %dma_start3A_968 : memref<1x8x1024xf32, #tpu.memory_space<vmem>> -> memref<8x1024xf32, #tpu.memory_space<vmem>>
      tpu.enqueue_dma source(%dma_start3A_969 : memref<8x1024xf32, #tpu.memory_space<vmem>>) target(%dma_start3A_965 : memref<8x1024xf32, #tpu.memory_space<hbm>>) target_semaphore(%arg14 : memref<!tpu.dma_semaphore, #tpu.memory_space<semaphore_mem>>)
      %add3A_970 = arith.constant 24576 : i32
      %add3A_971 = arith.addi %add3A_970, %mul3A_2 : i32
      %mul3A_972 = arith.constant 8 : i32
      %mul3A_973 = arith.muli %add3A_836, %mul3A_972 : i32
      %add3A_974 = arith.addi %add3A_971, %mul3A_973 : i32
      %dma_start3A_975 = arith.constant 2 : i32
      %dma_start3A_976 = arith.constant 24 : i32
      %dma_start3A_977 = arith.constant 0 : i32
      %dma_start3A_978 = tpu.memref_slice %arg7[%dma_start3A_975, %dma_start3A_976, %dma_start3A_977] : memref<3x32x1024xf32, #tpu.memory_space<vmem>> -> memref<1x8x1024xf32, #tpu.memory_space<vmem>>
      %dma_start3A_979 = tpu.memref_squeeze %dma_start3A_978 : memref<1x8x1024xf32, #tpu.memory_space<vmem>> -> memref<8x1024xf32, #tpu.memory_space<vmem>>
      %dma_start3A_980 = arith.constant 0 : i32
      %dma_start3A_981 = tpu.memref_slice %arg5[%add3A_974, %dma_start3A_980] : memref<32768x1024xf32, #tpu.memory_space<hbm>> -> memref<8x1024xf32, #tpu.memory_space<hbm>>
      %dma_start3A_982 = arith.constant 0 : i32
      %dma_start3A_983 = tpu.memref_slice %arg5[%add3A_974, %dma_start3A_982] : memref<32768x1024xf32, #tpu.memory_space<hbm>> -> memref<8x1024xf32, #tpu.memory_space<hbm>>
      %dma_start3A_984 = arith.constant 24 : i32
      %dma_start3A_985 = arith.constant 0 : i32
      %dma_start3A_986 = tpu.memref_slice %arg7[%dma_start3A_975, %dma_start3A_984, %dma_start3A_985] : memref<3x32x1024xf32, #tpu.memory_space<vmem>> -> memref<1x8x1024xf32, #tpu.memory_space<vmem>>
      %dma_start3A_987 = tpu.memref_squeeze %dma_start3A_986 : memref<1x8x1024xf32, #tpu.memory_space<vmem>> -> memref<8x1024xf32, #tpu.memory_space<vmem>>
      tpu.enqueue_dma source(%dma_start3A_987 : memref<8x1024xf32, #tpu.memory_space<vmem>>) target(%dma_start3A_983 : memref<8x1024xf32, #tpu.memory_space<hbm>>) target_semaphore(%arg14 : memref<!tpu.dma_semaphore, #tpu.memory_space<semaphore_mem>>)
      %add3A_988 = arith.constant 2 : i32
      %add3A_989 = arith.addi %add3A_683, %add3A_988 : i32
      %dma_wait3A_990 = arith.constant 1 : i32
      %dma_wait3A_991 = arith.constant 0 : i32
      %dma_wait3A_992 = arith.constant 0 : i32
      %dma_wait3A_993 = tpu.memref_slice %arg7[%dma_wait3A_990, %dma_wait3A_991, %dma_wait3A_992] : memref<3x32x1024xf32, #tpu.memory_space<vmem>> -> memref<1x32x1024xf32, #tpu.memory_space<vmem>>
      %dma_wait3A_994 = tpu.memref_squeeze %dma_wait3A_993 : memref<1x32x1024xf32, #tpu.memory_space<vmem>> -> memref<32x1024xf32, #tpu.memory_space<vmem>>
      %dma_wait3A_995 = arith.constant 0 : i32
      %dma_wait3A_996 = arith.constant 0 : i32
      %dma_wait3A_997 = tpu.memref_slice %arg5[%dma_wait3A_995, %dma_wait3A_996] : memref<32768x1024xf32, #tpu.memory_space<hbm>> -> memref<32x1024xf32, #tpu.memory_space<hbm>>
      %dma_wait3A_998 = arith.constant 0 : i32
      %dma_wait3A_999 = arith.constant 0 : i32
      %dma_wait3A_1000 = tpu.memref_slice %arg5[%dma_wait3A_998, %dma_wait3A_999] : memref<32768x1024xf32, #tpu.memory_space<hbm>> -> memref<32x1024xf32, #tpu.memory_space<hbm>>
      %dma_wait3A_1001 = arith.constant 0 : i32
      %dma_wait3A_1002 = arith.constant 0 : i32
      %dma_wait3A_1003 = tpu.memref_slice %arg7[%dma_wait3A_990, %dma_wait3A_1001, %dma_wait3A_1002] : memref<3x32x1024xf32, #tpu.memory_space<vmem>> -> memref<1x32x1024xf32, #tpu.memory_space<vmem>>
      %dma_wait3A_1004 = tpu.memref_squeeze %dma_wait3A_1003 : memref<1x32x1024xf32, #tpu.memory_space<vmem>> -> memref<32x1024xf32, #tpu.memory_space<vmem>>
      tpu.wait_dma2 semaphore(%arg13 : memref<!tpu.dma_semaphore, #tpu.memory_space<semaphore_mem>>) src(%dma_wait3A_1004 : memref<32x1024xf32, #tpu.memory_space<vmem>>) dst(%dma_wait3A_1000 : memref<32x1024xf32, #tpu.memory_space<hbm>>)
      %add3A_1005 = arith.constant 1 : i32
      %add3A_1006 = arith.addi %add3A_989, %add3A_1005 : i32
      %mul3A_1007 = arith.constant 8 : i32
      %mul3A_1008 = arith.muli %add3A_1006, %mul3A_1007 : i32
      %add3A_1009 = arith.constant 0 : i32
      %add3A_1010 = arith.addi %add3A_1009, %mul3A_1008 : i32
      %dma_start3A_1011 = arith.constant 1 : i32
      %dma_start3A_1012 = arith.constant 0 : i32
      %dma_start3A_1013 = arith.constant 0 : i32
      %dma_start3A_1014 = tpu.memref_slice %arg7[%dma_start3A_1011, %dma_start3A_1012, %dma_start3A_1013] : memref<3x32x1024xf32, #tpu.memory_space<vmem>> -> memref<1x8x1024xf32, #tpu.memory_space<vmem>>
      %dma_start3A_1015 = tpu.memref_squeeze %dma_start3A_1014 : memref<1x8x1024xf32, #tpu.memory_space<vmem>> -> memref<8x1024xf32, #tpu.memory_space<vmem>>
      %dma_start3A_1016 = tpu.memref_slice %arg6[%add3A_1010] : memref<1024xi32, #tpu.memory_space<vmem>> -> memref<8xi32, #tpu.memory_space<vmem>>
      %dma_start3A_1017 = arith.constant 0 : i32
      %dma_start3A_1018 = arith.constant 0 : i32
      %dma_start3A_1019 = tpu.memref_slice %arg3[%dma_start3A_1017, %dma_start3A_1018] : memref<100000x1024xf32, #tpu.memory_space<hbm>> -> memref<100000x1024xf32, #tpu.memory_space<hbm>>
      tpu.enqueue_indirect_dma source(%dma_start3A_1019 : memref<100000x1024xf32, #tpu.memory_space<hbm>>) target(%dma_start3A_1015 : memref<8x1024xf32, #tpu.memory_space<vmem>>) offsets(%dma_start3A_1016 : memref<8xi32, #tpu.memory_space<vmem>>) semaphore(%arg10 : memref<!tpu.dma_semaphore, #tpu.memory_space<semaphore_mem>>)
      %mul3A_1020 = arith.constant 8 : i32
      %mul3A_1021 = arith.muli %add3A_1006, %mul3A_1020 : i32
      %add3A_1022 = arith.constant 256 : i32
      %add3A_1023 = arith.addi %add3A_1022, %mul3A_1021 : i32
      %dma_start3A_1024 = arith.constant 1 : i32
      %dma_start3A_1025 = arith.constant 8 : i32
      %dma_start3A_1026 = arith.constant 0 : i32
      %dma_start3A_1027 = tpu.memref_slice %arg7[%dma_start3A_1024, %dma_start3A_1025, %dma_start3A_1026] : memref<3x32x1024xf32, #tpu.memory_space<vmem>> -> memref<1x8x1024xf32, #tpu.memory_space<vmem>>
      %dma_start3A_1028 = tpu.memref_squeeze %dma_start3A_1027 : memref<1x8x1024xf32, #tpu.memory_space<vmem>> -> memref<8x1024xf32, #tpu.memory_space<vmem>>
      %dma_start3A_1029 = tpu.memref_slice %arg6[%add3A_1023] : memref<1024xi32, #tpu.memory_space<vmem>> -> memref<8xi32, #tpu.memory_space<vmem>>
      %dma_start3A_1030 = arith.constant 0 : i32
      %dma_start3A_1031 = arith.constant 0 : i32
      %dma_start3A_1032 = tpu.memref_slice %arg3[%dma_start3A_1030, %dma_start3A_1031] : memref<100000x1024xf32, #tpu.memory_space<hbm>> -> memref<100000x1024xf32, #tpu.memory_space<hbm>>
      tpu.enqueue_indirect_dma source(%dma_start3A_1032 : memref<100000x1024xf32, #tpu.memory_space<hbm>>) target(%dma_start3A_1028 : memref<8x1024xf32, #tpu.memory_space<vmem>>) offsets(%dma_start3A_1029 : memref<8xi32, #tpu.memory_space<vmem>>) semaphore(%arg10 : memref<!tpu.dma_semaphore, #tpu.memory_space<semaphore_mem>>)
      %mul3A_1033 = arith.constant 8 : i32
      %mul3A_1034 = arith.muli %add3A_1006, %mul3A_1033 : i32
      %add3A_1035 = arith.constant 512 : i32
      %add3A_1036 = arith.addi %add3A_1035, %mul3A_1034 : i32
      %dma_start3A_1037 = arith.constant 1 : i32
      %dma_start3A_1038 = arith.constant 16 : i32
      %dma_start3A_1039 = arith.constant 0 : i32
      %dma_start3A_1040 = tpu.memref_slice %arg7[%dma_start3A_1037, %dma_start3A_1038, %dma_start3A_1039] : memref<3x32x1024xf32, #tpu.memory_space<vmem>> -> memref<1x8x1024xf32, #tpu.memory_space<vmem>>
      %dma_start3A_1041 = tpu.memref_squeeze %dma_start3A_1040 : memref<1x8x1024xf32, #tpu.memory_space<vmem>> -> memref<8x1024xf32, #tpu.memory_space<vmem>>
      %dma_start3A_1042 = tpu.memref_slice %arg6[%add3A_1036] : memref<1024xi32, #tpu.memory_space<vmem>> -> memref<8xi32, #tpu.memory_space<vmem>>
      %dma_start3A_1043 = arith.constant 0 : i32
      %dma_start3A_1044 = arith.constant 0 : i32
      %dma_start3A_1045 = tpu.memref_slice %arg3[%dma_start3A_1043, %dma_start3A_1044] : memref<100000x1024xf32, #tpu.memory_space<hbm>> -> memref<100000x1024xf32, #tpu.memory_space<hbm>>
      tpu.enqueue_indirect_dma source(%dma_start3A_1045 : memref<100000x1024xf32, #tpu.memory_space<hbm>>) target(%dma_start3A_1041 : memref<8x1024xf32, #tpu.memory_space<vmem>>) offsets(%dma_start3A_1042 : memref<8xi32, #tpu.memory_space<vmem>>) semaphore(%arg10 : memref<!tpu.dma_semaphore, #tpu.memory_space<semaphore_mem>>)
      %mul3A_1046 = arith.constant 8 : i32
      %mul3A_1047 = arith.muli %add3A_1006, %mul3A_1046 : i32
      %add3A_1048 = arith.constant 768 : i32
      %add3A_1049 = arith.addi %add3A_1048, %mul3A_1047 : i32
      %dma_start3A_1050 = arith.constant 1 : i32
      %dma_start3A_1051 = arith.constant 24 : i32
      %dma_start3A_1052 = arith.constant 0 : i32
      %dma_start3A_1053 = tpu.memref_slice %arg7[%dma_start3A_1050, %dma_start3A_1051, %dma_start3A_1052] : memref<3x32x1024xf32, #tpu.memory_space<vmem>> -> memref<1x8x1024xf32, #tpu.memory_space<vmem>>
      %dma_start3A_1054 = tpu.memref_squeeze %dma_start3A_1053 : memref<1x8x1024xf32, #tpu.memory_space<vmem>> -> memref<8x1024xf32, #tpu.memory_space<vmem>>
      %dma_start3A_1055 = tpu.memref_slice %arg6[%add3A_1049] : memref<1024xi32, #tpu.memory_space<vmem>> -> memref<8xi32, #tpu.memory_space<vmem>>
      %dma_start3A_1056 = arith.constant 0 : i32
      %dma_start3A_1057 = arith.constant 0 : i32
      %dma_start3A_1058 = tpu.memref_slice %arg3[%dma_start3A_1056, %dma_start3A_1057] : memref<100000x1024xf32, #tpu.memory_space<hbm>> -> memref<100000x1024xf32, #tpu.memory_space<hbm>>
      tpu.enqueue_indirect_dma source(%dma_start3A_1058 : memref<100000x1024xf32, #tpu.memory_space<hbm>>) target(%dma_start3A_1054 : memref<8x1024xf32, #tpu.memory_space<vmem>>) offsets(%dma_start3A_1055 : memref<8xi32, #tpu.memory_space<vmem>>) semaphore(%arg10 : memref<!tpu.dma_semaphore, #tpu.memory_space<semaphore_mem>>)
      %dma_wait3A_1059 = arith.constant 0 : i32
      %dma_wait3A_1060 = arith.constant 0 : i32
      %dma_wait3A_1061 = arith.constant 0 : i32
      %dma_wait3A_1062 = tpu.memref_slice %arg7[%dma_wait3A_1059, %dma_wait3A_1060, %dma_wait3A_1061] : memref<3x32x1024xf32, #tpu.memory_space<vmem>> -> memref<1x32x1024xf32, #tpu.memory_space<vmem>>
      %dma_wait3A_1063 = tpu.memref_squeeze %dma_wait3A_1062 : memref<1x32x1024xf32, #tpu.memory_space<vmem>> -> memref<32x1024xf32, #tpu.memory_space<vmem>>
      %dma_wait3A_1064 = arith.constant 0 : i32
      %dma_wait3A_1065 = tpu.memref_slice %arg6[%dma_wait3A_1064] : memref<1024xi32, #tpu.memory_space<vmem>> -> memref<32xi32, #tpu.memory_space<vmem>>
      %dma_wait3A_1066 = arith.constant 0 : i32
      %dma_wait3A_1067 = arith.constant 0 : i32
      %dma_wait3A_1068 = tpu.memref_slice %arg3[%dma_wait3A_1066, %dma_wait3A_1067] : memref<100000x1024xf32, #tpu.memory_space<hbm>> -> memref<100000x1024xf32, #tpu.memory_space<hbm>>
      tpu.wait_indirect_dma semaphore(%arg9 : memref<!tpu.dma_semaphore, #tpu.memory_space<semaphore_mem>>) src(%dma_wait3A_1068 : memref<100000x1024xf32, #tpu.memory_space<hbm>>) dst(%dma_wait3A_1063 : memref<32x1024xf32, #tpu.memory_space<vmem>>)
      %add3A_1069 = arith.constant 0 : i32
      %add3A_1070 = arith.addi %add3A_1069, %mul3A_2 : i32
      %mul3A_1071 = arith.constant 8 : i32
      %mul3A_1072 = arith.muli %add3A_989, %mul3A_1071 : i32
      %add3A_1073 = arith.addi %add3A_1070, %mul3A_1072 : i32
      %dma_start3A_1074 = arith.constant 0 : i32
      %dma_start3A_1075 = arith.constant 0 : i32
      %dma_start3A_1076 = arith.constant 0 : i32
      %dma_start3A_1077 = tpu.memref_slice %arg7[%dma_start3A_1074, %dma_start3A_1075, %dma_start3A_1076] : memref<3x32x1024xf32, #tpu.memory_space<vmem>> -> memref<1x8x1024xf32, #tpu.memory_space<vmem>>
      %dma_start3A_1078 = tpu.memref_squeeze %dma_start3A_1077 : memref<1x8x1024xf32, #tpu.memory_space<vmem>> -> memref<8x1024xf32, #tpu.memory_space<vmem>>
      %dma_start3A_1079 = arith.constant 0 : i32
      %dma_start3A_1080 = tpu.memref_slice %arg5[%add3A_1073, %dma_start3A_1079] : memref<32768x1024xf32, #tpu.memory_space<hbm>> -> memref<8x1024xf32, #tpu.memory_space<hbm>>
      %dma_start3A_1081 = arith.constant 0 : i32
      %dma_start3A_1082 = tpu.memref_slice %arg5[%add3A_1073, %dma_start3A_1081] : memref<32768x1024xf32, #tpu.memory_space<hbm>> -> memref<8x1024xf32, #tpu.memory_space<hbm>>
      %dma_start3A_1083 = arith.constant 0 : i32
      %dma_start3A_1084 = arith.constant 0 : i32
      %dma_start3A_1085 = tpu.memref_slice %arg7[%dma_start3A_1074, %dma_start3A_1083, %dma_start3A_1084] : memref<3x32x1024xf32, #tpu.memory_space<vmem>> -> memref<1x8x1024xf32, #tpu.memory_space<vmem>>
      %dma_start3A_1086 = tpu.memref_squeeze %dma_start3A_1085 : memref<1x8x1024xf32, #tpu.memory_space<vmem>> -> memref<8x1024xf32, #tpu.memory_space<vmem>>
      tpu.enqueue_dma source(%dma_start3A_1086 : memref<8x1024xf32, #tpu.memory_space<vmem>>) target(%dma_start3A_1082 : memref<8x1024xf32, #tpu.memory_space<hbm>>) target_semaphore(%arg12 : memref<!tpu.dma_semaphore, #tpu.memory_space<semaphore_mem>>)
      %add3A_1087 = arith.constant 8192 : i32
      %add3A_1088 = arith.addi %add3A_1087, %mul3A_2 : i32
      %mul3A_1089 = arith.constant 8 : i32
      %mul3A_1090 = arith.muli %add3A_989, %mul3A_1089 : i32
      %add3A_1091 = arith.addi %add3A_1088, %mul3A_1090 : i32
      %dma_start3A_1092 = arith.constant 0 : i32
      %dma_start3A_1093 = arith.constant 8 : i32
      %dma_start3A_1094 = arith.constant 0 : i32
      %dma_start3A_1095 = tpu.memref_slice %arg7[%dma_start3A_1092, %dma_start3A_1093, %dma_start3A_1094] : memref<3x32x1024xf32, #tpu.memory_space<vmem>> -> memref<1x8x1024xf32, #tpu.memory_space<vmem>>
      %dma_start3A_1096 = tpu.memref_squeeze %dma_start3A_1095 : memref<1x8x1024xf32, #tpu.memory_space<vmem>> -> memref<8x1024xf32, #tpu.memory_space<vmem>>
      %dma_start3A_1097 = arith.constant 0 : i32
      %dma_start3A_1098 = tpu.memref_slice %arg5[%add3A_1091, %dma_start3A_1097] : memref<32768x1024xf32, #tpu.memory_space<hbm>> -> memref<8x1024xf32, #tpu.memory_space<hbm>>
      %dma_start3A_1099 = arith.constant 0 : i32
      %dma_start3A_1100 = tpu.memref_slice %arg5[%add3A_1091, %dma_start3A_1099] : memref<32768x1024xf32, #tpu.memory_space<hbm>> -> memref<8x1024xf32, #tpu.memory_space<hbm>>
      %dma_start3A_1101 = arith.constant 8 : i32
      %dma_start3A_1102 = arith.constant 0 : i32
      %dma_start3A_1103 = tpu.memref_slice %arg7[%dma_start3A_1092, %dma_start3A_1101, %dma_start3A_1102] : memref<3x32x1024xf32, #tpu.memory_space<vmem>> -> memref<1x8x1024xf32, #tpu.memory_space<vmem>>
      %dma_start3A_1104 = tpu.memref_squeeze %dma_start3A_1103 : memref<1x8x1024xf32, #tpu.memory_space<vmem>> -> memref<8x1024xf32, #tpu.memory_space<vmem>>
      tpu.enqueue_dma source(%dma_start3A_1104 : memref<8x1024xf32, #tpu.memory_space<vmem>>) target(%dma_start3A_1100 : memref<8x1024xf32, #tpu.memory_space<hbm>>) target_semaphore(%arg12 : memref<!tpu.dma_semaphore, #tpu.memory_space<semaphore_mem>>)
      %add3A_1105 = arith.constant 16384 : i32
      %add3A_1106 = arith.addi %add3A_1105, %mul3A_2 : i32
      %mul3A_1107 = arith.constant 8 : i32
      %mul3A_1108 = arith.muli %add3A_989, %mul3A_1107 : i32
      %add3A_1109 = arith.addi %add3A_1106, %mul3A_1108 : i32
      %dma_start3A_1110 = arith.constant 0 : i32
      %dma_start3A_1111 = arith.constant 16 : i32
      %dma_start3A_1112 = arith.constant 0 : i32
      %dma_start3A_1113 = tpu.memref_slice %arg7[%dma_start3A_1110, %dma_start3A_1111, %dma_start3A_1112] : memref<3x32x1024xf32, #tpu.memory_space<vmem>> -> memref<1x8x1024xf32, #tpu.memory_space<vmem>>
      %dma_start3A_1114 = tpu.memref_squeeze %dma_start3A_1113 : memref<1x8x1024xf32, #tpu.memory_space<vmem>> -> memref<8x1024xf32, #tpu.memory_space<vmem>>
      %dma_start3A_1115 = arith.constant 0 : i32
      %dma_start3A_1116 = tpu.memref_slice %arg5[%add3A_1109, %dma_start3A_1115] : memref<32768x1024xf32, #tpu.memory_space<hbm>> -> memref<8x1024xf32, #tpu.memory_space<hbm>>
      %dma_start3A_1117 = arith.constant 0 : i32
      %dma_start3A_1118 = tpu.memref_slice %arg5[%add3A_1109, %dma_start3A_1117] : memref<32768x1024xf32, #tpu.memory_space<hbm>> -> memref<8x1024xf32, #tpu.memory_space<hbm>>
      %dma_start3A_1119 = arith.constant 16 : i32
      %dma_start3A_1120 = arith.constant 0 : i32
      %dma_start3A_1121 = tpu.memref_slice %arg7[%dma_start3A_1110, %dma_start3A_1119, %dma_start3A_1120] : memref<3x32x1024xf32, #tpu.memory_space<vmem>> -> memref<1x8x1024xf32, #tpu.memory_space<vmem>>
      %dma_start3A_1122 = tpu.memref_squeeze %dma_start3A_1121 : memref<1x8x1024xf32, #tpu.memory_space<vmem>> -> memref<8x1024xf32, #tpu.memory_space<vmem>>
      tpu.enqueue_dma source(%dma_start3A_1122 : memref<8x1024xf32, #tpu.memory_space<vmem>>) target(%dma_start3A_1118 : memref<8x1024xf32, #tpu.memory_space<hbm>>) target_semaphore(%arg12 : memref<!tpu.dma_semaphore, #tpu.memory_space<semaphore_mem>>)
      %add3A_1123 = arith.constant 24576 : i32
      %add3A_1124 = arith.addi %add3A_1123, %mul3A_2 : i32
      %mul3A_1125 = arith.constant 8 : i32
      %mul3A_1126 = arith.muli %add3A_989, %mul3A_1125 : i32
      %add3A_1127 = arith.addi %add3A_1124, %mul3A_1126 : i32
      %dma_start3A_1128 = arith.constant 0 : i32
      %dma_start3A_1129 = arith.constant 24 : i32
      %dma_start3A_1130 = arith.constant 0 : i32
      %dma_start3A_1131 = tpu.memref_slice %arg7[%dma_start3A_1128, %dma_start3A_1129, %dma_start3A_1130] : memref<3x32x1024xf32, #tpu.memory_space<vmem>> -> memref<1x8x1024xf32, #tpu.memory_space<vmem>>
      %dma_start3A_1132 = tpu.memref_squeeze %dma_start3A_1131 : memref<1x8x1024xf32, #tpu.memory_space<vmem>> -> memref<8x1024xf32, #tpu.memory_space<vmem>>
      %dma_start3A_1133 = arith.constant 0 : i32
      %dma_start3A_1134 = tpu.memref_slice %arg5[%add3A_1127, %dma_start3A_1133] : memref<32768x1024xf32, #tpu.memory_space<hbm>> -> memref<8x1024xf32, #tpu.memory_space<hbm>>
      %dma_start3A_1135 = arith.constant 0 : i32
      %dma_start3A_1136 = tpu.memref_slice %arg5[%add3A_1127, %dma_start3A_1135] : memref<32768x1024xf32, #tpu.memory_space<hbm>> -> memref<8x1024xf32, #tpu.memory_space<hbm>>
      %dma_start3A_1137 = arith.constant 24 : i32
      %dma_start3A_1138 = arith.constant 0 : i32
      %dma_start3A_1139 = tpu.memref_slice %arg7[%dma_start3A_1128, %dma_start3A_1137, %dma_start3A_1138] : memref<3x32x1024xf32, #tpu.memory_space<vmem>> -> memref<1x8x1024xf32, #tpu.memory_space<vmem>>
      %dma_start3A_1140 = tpu.memref_squeeze %dma_start3A_1139 : memref<1x8x1024xf32, #tpu.memory_space<vmem>> -> memref<8x1024xf32, #tpu.memory_space<vmem>>
      tpu.enqueue_dma source(%dma_start3A_1140 : memref<8x1024xf32, #tpu.memory_space<vmem>>) target(%dma_start3A_1136 : memref<8x1024xf32, #tpu.memory_space<hbm>>) target_semaphore(%arg12 : memref<!tpu.dma_semaphore, #tpu.memory_space<semaphore_mem>>)
    }
    %scan3A_555 = arith.constant 9 : i32
    %dma_wait3A_556 = arith.constant 1 : i32
    %dma_wait3A_557 = arith.constant 0 : i32
    %dma_wait3A_558 = arith.constant 0 : i32
    %dma_wait3A_559 = tpu.memref_slice %arg7[%dma_wait3A_556, %dma_wait3A_557, %dma_wait3A_558] : memref<3x32x1024xf32, #tpu.memory_space<vmem>> -> memref<1x32x1024xf32, #tpu.memory_space<vmem>>
    %dma_wait3A_560 = tpu.memref_squeeze %dma_wait3A_559 : memref<1x32x1024xf32, #tpu.memory_space<vmem>> -> memref<32x1024xf32, #tpu.memory_space<vmem>>
    %dma_wait3A_561 = arith.constant 0 : i32
    %dma_wait3A_562 = tpu.memref_slice %arg6[%dma_wait3A_561] : memref<1024xi32, #tpu.memory_space<vmem>> -> memref<32xi32, #tpu.memory_space<vmem>>
    %dma_wait3A_563 = arith.constant 0 : i32
    %dma_wait3A_564 = arith.constant 0 : i32
    %dma_wait3A_565 = tpu.memref_slice %arg3[%dma_wait3A_563, %dma_wait3A_564] : memref<100000x1024xf32, #tpu.memory_space<hbm>> -> memref<100000x1024xf32, #tpu.memory_space<hbm>>
    tpu.wait_indirect_dma semaphore(%arg10 : memref<!tpu.dma_semaphore, #tpu.memory_space<semaphore_mem>>) src(%dma_wait3A_565 : memref<100000x1024xf32, #tpu.memory_space<hbm>>) dst(%dma_wait3A_560 : memref<32x1024xf32, #tpu.memory_space<vmem>>)
    %add3A_566 = arith.constant 0 : i32
    %add3A_567 = arith.addi %add3A_566, %mul3A_2 : i32
    %add3A_568 = arith.constant 248 : i32
    %add3A_569 = arith.addi %add3A_567, %add3A_568 : i32
    %dma_start3A_570 = arith.constant 1 : i32
    %dma_start3A_571 = arith.constant 0 : i32
    %dma_start3A_572 = arith.constant 0 : i32
    %dma_start3A_573 = tpu.memref_slice %arg7[%dma_start3A_570, %dma_start3A_571, %dma_start3A_572] : memref<3x32x1024xf32, #tpu.memory_space<vmem>> -> memref<1x8x1024xf32, #tpu.memory_space<vmem>>
    %dma_start3A_574 = tpu.memref_squeeze %dma_start3A_573 : memref<1x8x1024xf32, #tpu.memory_space<vmem>> -> memref<8x1024xf32, #tpu.memory_space<vmem>>
    %dma_start3A_575 = arith.constant 0 : i32
    %dma_start3A_576 = tpu.memref_slice %arg5[%add3A_569, %dma_start3A_575] : memref<32768x1024xf32, #tpu.memory_space<hbm>> -> memref<8x1024xf32, #tpu.memory_space<hbm>>
    %dma_start3A_577 = arith.constant 0 : i32
    %dma_start3A_578 = tpu.memref_slice %arg5[%add3A_569, %dma_start3A_577] : memref<32768x1024xf32, #tpu.memory_space<hbm>> -> memref<8x1024xf32, #tpu.memory_space<hbm>>
    %dma_start3A_579 = arith.constant 0 : i32
    %dma_start3A_580 = arith.constant 0 : i32
    %dma_start3A_581 = tpu.memref_slice %arg7[%dma_start3A_570, %dma_start3A_579, %dma_start3A_580] : memref<3x32x1024xf32, #tpu.memory_space<vmem>> -> memref<1x8x1024xf32, #tpu.memory_space<vmem>>
    %dma_start3A_582 = tpu.memref_squeeze %dma_start3A_581 : memref<1x8x1024xf32, #tpu.memory_space<vmem>> -> memref<8x1024xf32, #tpu.memory_space<vmem>>
    tpu.enqueue_dma source(%dma_start3A_582 : memref<8x1024xf32, #tpu.memory_space<vmem>>) target(%dma_start3A_578 : memref<8x1024xf32, #tpu.memory_space<hbm>>) target_semaphore(%arg13 : memref<!tpu.dma_semaphore, #tpu.memory_space<semaphore_mem>>)
    %add3A_583 = arith.constant 8192 : i32
    %add3A_584 = arith.addi %add3A_583, %mul3A_2 : i32
    %add3A_585 = arith.constant 248 : i32
    %add3A_586 = arith.addi %add3A_584, %add3A_585 : i32
    %dma_start3A_587 = arith.constant 1 : i32
    %dma_start3A_588 = arith.constant 8 : i32
    %dma_start3A_589 = arith.constant 0 : i32
    %dma_start3A_590 = tpu.memref_slice %arg7[%dma_start3A_587, %dma_start3A_588, %dma_start3A_589] : memref<3x32x1024xf32, #tpu.memory_space<vmem>> -> memref<1x8x1024xf32, #tpu.memory_space<vmem>>
    %dma_start3A_591 = tpu.memref_squeeze %dma_start3A_590 : memref<1x8x1024xf32, #tpu.memory_space<vmem>> -> memref<8x1024xf32, #tpu.memory_space<vmem>>
    %dma_start3A_592 = arith.constant 0 : i32
    %dma_start3A_593 = tpu.memref_slice %arg5[%add3A_586, %dma_start3A_592] : memref<32768x1024xf32, #tpu.memory_space<hbm>> -> memref<8x1024xf32, #tpu.memory_space<hbm>>
    %dma_start3A_594 = arith.constant 0 : i32
    %dma_start3A_595 = tpu.memref_slice %arg5[%add3A_586, %dma_start3A_594] : memref<32768x1024xf32, #tpu.memory_space<hbm>> -> memref<8x1024xf32, #tpu.memory_space<hbm>>
    %dma_start3A_596 = arith.constant 8 : i32
    %dma_start3A_597 = arith.constant 0 : i32
    %dma_start3A_598 = tpu.memref_slice %arg7[%dma_start3A_587, %dma_start3A_596, %dma_start3A_597] : memref<3x32x1024xf32, #tpu.memory_space<vmem>> -> memref<1x8x1024xf32, #tpu.memory_space<vmem>>
    %dma_start3A_599 = tpu.memref_squeeze %dma_start3A_598 : memref<1x8x1024xf32, #tpu.memory_space<vmem>> -> memref<8x1024xf32, #tpu.memory_space<vmem>>
    tpu.enqueue_dma source(%dma_start3A_599 : memref<8x1024xf32, #tpu.memory_space<vmem>>) target(%dma_start3A_595 : memref<8x1024xf32, #tpu.memory_space<hbm>>) target_semaphore(%arg13 : memref<!tpu.dma_semaphore, #tpu.memory_space<semaphore_mem>>)
    %add3A_600 = arith.constant 16384 : i32
    %add3A_601 = arith.addi %add3A_600, %mul3A_2 : i32
    %add3A_602 = arith.constant 248 : i32
    %add3A_603 = arith.addi %add3A_601, %add3A_602 : i32
    %dma_start3A_604 = arith.constant 1 : i32
    %dma_start3A_605 = arith.constant 16 : i32
    %dma_start3A_606 = arith.constant 0 : i32
    %dma_start3A_607 = tpu.memref_slice %arg7[%dma_start3A_604, %dma_start3A_605, %dma_start3A_606] : memref<3x32x1024xf32, #tpu.memory_space<vmem>> -> memref<1x8x1024xf32, #tpu.memory_space<vmem>>
    %dma_start3A_608 = tpu.memref_squeeze %dma_start3A_607 : memref<1x8x1024xf32, #tpu.memory_space<vmem>> -> memref<8x1024xf32, #tpu.memory_space<vmem>>
    %dma_start3A_609 = arith.constant 0 : i32
    %dma_start3A_610 = tpu.memref_slice %arg5[%add3A_603, %dma_start3A_609] : memref<32768x1024xf32, #tpu.memory_space<hbm>> -> memref<8x1024xf32, #tpu.memory_space<hbm>>
    %dma_start3A_611 = arith.constant 0 : i32
    %dma_start3A_612 = tpu.memref_slice %arg5[%add3A_603, %dma_start3A_611] : memref<32768x1024xf32, #tpu.memory_space<hbm>> -> memref<8x1024xf32, #tpu.memory_space<hbm>>
    %dma_start3A_613 = arith.constant 16 : i32
    %dma_start3A_614 = arith.constant 0 : i32
    %dma_start3A_615 = tpu.memref_slice %arg7[%dma_start3A_604, %dma_start3A_613, %dma_start3A_614] : memref<3x32x1024xf32, #tpu.memory_space<vmem>> -> memref<1x8x1024xf32, #tpu.memory_space<vmem>>
    %dma_start3A_616 = tpu.memref_squeeze %dma_start3A_615 : memref<1x8x1024xf32, #tpu.memory_space<vmem>> -> memref<8x1024xf32, #tpu.memory_space<vmem>>
    tpu.enqueue_dma source(%dma_start3A_616 : memref<8x1024xf32, #tpu.memory_space<vmem>>) target(%dma_start3A_612 : memref<8x1024xf32, #tpu.memory_space<hbm>>) target_semaphore(%arg13 : memref<!tpu.dma_semaphore, #tpu.memory_space<semaphore_mem>>)
    %add3A_617 = arith.constant 24576 : i32
    %add3A_618 = arith.addi %add3A_617, %mul3A_2 : i32
    %add3A_619 = arith.constant 248 : i32
    %add3A_620 = arith.addi %add3A_618, %add3A_619 : i32
    %dma_start3A_621 = arith.constant 1 : i32
    %dma_start3A_622 = arith.constant 24 : i32
    %dma_start3A_623 = arith.constant 0 : i32
    %dma_start3A_624 = tpu.memref_slice %arg7[%dma_start3A_621, %dma_start3A_622, %dma_start3A_623] : memref<3x32x1024xf32, #tpu.memory_space<vmem>> -> memref<1x8x1024xf32, #tpu.memory_space<vmem>>
    %dma_start3A_625 = tpu.memref_squeeze %dma_start3A_624 : memref<1x8x1024xf32, #tpu.memory_space<vmem>> -> memref<8x1024xf32, #tpu.memory_space<vmem>>
    %dma_start3A_626 = arith.constant 0 : i32
    %dma_start3A_627 = tpu.memref_slice %arg5[%add3A_620, %dma_start3A_626] : memref<32768x1024xf32, #tpu.memory_space<hbm>> -> memref<8x1024xf32, #tpu.memory_space<hbm>>
    %dma_start3A_628 = arith.constant 0 : i32
    %dma_start3A_629 = tpu.memref_slice %arg5[%add3A_620, %dma_start3A_628] : memref<32768x1024xf32, #tpu.memory_space<hbm>> -> memref<8x1024xf32, #tpu.memory_space<hbm>>
    %dma_start3A_630 = arith.constant 24 : i32
    %dma_start3A_631 = arith.constant 0 : i32
    %dma_start3A_632 = tpu.memref_slice %arg7[%dma_start3A_621, %dma_start3A_630, %dma_start3A_631] : memref<3x32x1024xf32, #tpu.memory_space<vmem>> -> memref<1x8x1024xf32, #tpu.memory_space<vmem>>
    %dma_start3A_633 = tpu.memref_squeeze %dma_start3A_632 : memref<1x8x1024xf32, #tpu.memory_space<vmem>> -> memref<8x1024xf32, #tpu.memory_space<vmem>>
    tpu.enqueue_dma source(%dma_start3A_633 : memref<8x1024xf32, #tpu.memory_space<vmem>>) target(%dma_start3A_629 : memref<8x1024xf32, #tpu.memory_space<hbm>>) target_semaphore(%arg13 : memref<!tpu.dma_semaphore, #tpu.memory_space<semaphore_mem>>)
    %dma_wait3A_634 = arith.constant 0 : i32
    %dma_wait3A_635 = arith.constant 0 : i32
    %dma_wait3A_636 = arith.constant 0 : i32
    %dma_wait3A_637 = tpu.memref_slice %arg7[%dma_wait3A_634, %dma_wait3A_635, %dma_wait3A_636] : memref<3x32x1024xf32, #tpu.memory_space<vmem>> -> memref<1x32x1024xf32, #tpu.memory_space<vmem>>
    %dma_wait3A_638 = tpu.memref_squeeze %dma_wait3A_637 : memref<1x32x1024xf32, #tpu.memory_space<vmem>> -> memref<32x1024xf32, #tpu.memory_space<vmem>>
    %dma_wait3A_639 = arith.constant 0 : i32
    %dma_wait3A_640 = arith.constant 0 : i32
    %dma_wait3A_641 = tpu.memref_slice %arg5[%dma_wait3A_639, %dma_wait3A_640] : memref<32768x1024xf32, #tpu.memory_space<hbm>> -> memref<32x1024xf32, #tpu.memory_space<hbm>>
    %dma_wait3A_642 = arith.constant 0 : i32
    %dma_wait3A_643 = arith.constant 0 : i32
    %dma_wait3A_644 = tpu.memref_slice %arg5[%dma_wait3A_642, %dma_wait3A_643] : memref<32768x1024xf32, #tpu.memory_space<hbm>> -> memref<32x1024xf32, #tpu.memory_space<hbm>>
    %dma_wait3A_645 = arith.constant 0 : i32
    %dma_wait3A_646 = arith.constant 0 : i32
    %dma_wait3A_647 = tpu.memref_slice %arg7[%dma_wait3A_634, %dma_wait3A_645, %dma_wait3A_646] : memref<3x32x1024xf32, #tpu.memory_space<vmem>> -> memref<1x32x1024xf32, #tpu.memory_space<vmem>>
    %dma_wait3A_648 = tpu.memref_squeeze %dma_wait3A_647 : memref<1x32x1024xf32, #tpu.memory_space<vmem>> -> memref<32x1024xf32, #tpu.memory_space<vmem>>
    tpu.wait_dma2 semaphore(%arg12 : memref<!tpu.dma_semaphore, #tpu.memory_space<semaphore_mem>>) src(%dma_wait3A_648 : memref<32x1024xf32, #tpu.memory_space<vmem>>) dst(%dma_wait3A_644 : memref<32x1024xf32, #tpu.memory_space<hbm>>)
    %dma_wait3A_649 = arith.constant 1 : i32
    %dma_wait3A_650 = arith.constant 0 : i32
    %dma_wait3A_651 = arith.constant 0 : i32
    %dma_wait3A_652 = tpu.memref_slice %arg7[%dma_wait3A_649, %dma_wait3A_650, %dma_wait3A_651] : memref<3x32x1024xf32, #tpu.memory_space<vmem>> -> memref<1x32x1024xf32, #tpu.memory_space<vmem>>
    %dma_wait3A_653 = tpu.memref_squeeze %dma_wait3A_652 : memref<1x32x1024xf32, #tpu.memory_space<vmem>> -> memref<32x1024xf32, #tpu.memory_space<vmem>>
    %dma_wait3A_654 = arith.constant 0 : i32
    %dma_wait3A_655 = arith.constant 0 : i32
    %dma_wait3A_656 = tpu.memref_slice %arg5[%dma_wait3A_654, %dma_wait3A_655] : memref<32768x1024xf32, #tpu.memory_space<hbm>> -> memref<32x1024xf32, #tpu.memory_space<hbm>>
    %dma_wait3A_657 = arith.constant 0 : i32
    %dma_wait3A_658 = arith.constant 0 : i32
    %dma_wait3A_659 = tpu.memref_slice %arg5[%dma_wait3A_657, %dma_wait3A_658] : memref<32768x1024xf32, #tpu.memory_space<hbm>> -> memref<32x1024xf32, #tpu.memory_space<hbm>>
    %dma_wait3A_660 = arith.constant 0 : i32
    %dma_wait3A_661 = arith.constant 0 : i32
    %dma_wait3A_662 = tpu.memref_slice %arg7[%dma_wait3A_649, %dma_wait3A_660, %dma_wait3A_661] : memref<3x32x1024xf32, #tpu.memory_space<vmem>> -> memref<1x32x1024xf32, #tpu.memory_space<vmem>>
    %dma_wait3A_663 = tpu.memref_squeeze %dma_wait3A_662 : memref<1x32x1024xf32, #tpu.memory_space<vmem>> -> memref<32x1024xf32, #tpu.memory_space<vmem>>
    tpu.wait_dma2 semaphore(%arg13 : memref<!tpu.dma_semaphore, #tpu.memory_space<semaphore_mem>>) src(%dma_wait3A_663 : memref<32x1024xf32, #tpu.memory_space<vmem>>) dst(%dma_wait3A_659 : memref<32x1024xf32, #tpu.memory_space<hbm>>)
    %dma_wait3A_664 = arith.constant 2 : i32
    %dma_wait3A_665 = arith.constant 0 : i32
    %dma_wait3A_666 = arith.constant 0 : i32
    %dma_wait3A_667 = tpu.memref_slice %arg7[%dma_wait3A_664, %dma_wait3A_665, %dma_wait3A_666] : memref<3x32x1024xf32, #tpu.memory_space<vmem>> -> memref<1x32x1024xf32, #tpu.memory_space<vmem>>
    %dma_wait3A_668 = tpu.memref_squeeze %dma_wait3A_667 : memref<1x32x1024xf32, #tpu.memory_space<vmem>> -> memref<32x1024xf32, #tpu.memory_space<vmem>>
    %dma_wait3A_669 = arith.constant 0 : i32
    %dma_wait3A_670 = arith.constant 0 : i32
    %dma_wait3A_671 = tpu.memref_slice %arg5[%dma_wait3A_669, %dma_wait3A_670] : memref<32768x1024xf32, #tpu.memory_space<hbm>> -> memref<32x1024xf32, #tpu.memory_space<hbm>>
    %dma_wait3A_672 = arith.constant 0 : i32
    %dma_wait3A_673 = arith.constant 0 : i32
    %dma_wait3A_674 = tpu.memref_slice %arg5[%dma_wait3A_672, %dma_wait3A_673] : memref<32768x1024xf32, #tpu.memory_space<hbm>> -> memref<32x1024xf32, #tpu.memory_space<hbm>>
    %dma_wait3A_675 = arith.constant 0 : i32
    %dma_wait3A_676 = arith.constant 0 : i32
    %dma_wait3A_677 = tpu.memref_slice %arg7[%dma_wait3A_664, %dma_wait3A_675, %dma_wait3A_676] : memref<3x32x1024xf32, #tpu.memory_space<vmem>> -> memref<1x32x1024xf32, #tpu.memory_space<vmem>>
    %dma_wait3A_678 = tpu.memref_squeeze %dma_wait3A_677 : memref<1x32x1024xf32, #tpu.memory_space<vmem>> -> memref<32x1024xf32, #tpu.memory_space<vmem>>
    tpu.wait_dma2 semaphore(%arg14 : memref<!tpu.dma_semaphore, #tpu.memory_space<semaphore_mem>>) src(%dma_wait3A_678 : memref<32x1024xf32, #tpu.memory_space<vmem>>) dst(%dma_wait3A_674 : memref<32x1024xf32, #tpu.memory_space<hbm>>)
    return
  }
}

</mosaic_0001>

<sc_bundles>
// kernel: kernel.3.cloned.1.call-start
scs
__scs_entry_jumppad:
0x0: {  	(pc) =	sbr.rel $0x88, $3  }
0x1: {  	(tag) =	ssettag $0x0;
	lr =	simm.s32 $0x1  }
0x2: {  	[smem:$0x3F9E] =	sst lr;
	_ =	strace $0xD0000000  }
0x3: {  	_ = 	snop  }
0x4: {  	_ = 	snop  }
0x5: {  	_ = 	snop  }
0x6: {  	_ = 	snop  }
0x7: {  	_ = 	snop  }
__scs_overlays_trampoline_lowered:
0x8: {  	[smem:$0x3FAD] =	sst s0  }
0x9: {  	[smem:$0x3FAE] =	sst s1  }
0xa: {  	[smem:$0x3FAF] =	sst s2  }
0xb: {  	[smem:$0x3FB0] =	sst s3  }
0xc: {  	[smem:$0x3FB1] =	sst s4  }
0xd: {  	[smem:$0x3FB2] =	sst s5  }
0xe: {  	[smem:$0x3FB3] =	sst s6  }
0xf: {  	[smem:$0x3FB4] =	sst s7  }
0x10: {  	[smem:$0x3FB5] =	sst s8  }
0x11: {  	[smem:$0x3FB6] =	sst s9;
	s0 =	simm.s32 @!p0 $0x0  }
0x12: {  	s1 =	sld [smem:$0x3F9C];
	s0 =	simm.s32 @p0 $0x1  }
0x13: {  	[smem:$0x3FB7] =	sst s0;
	s0 =	simm.s32 @!p1 $0x0  }
0x14: {  	s2 =	sld [smem:$0x3F9B];
	s0 =	simm.s32 @p1 $0x1  }
0x15: {  	[smem:$0x3FB8] =	sst s0;
	s0 =	simm.s32 @!p2 $0x0  }
0x16: {  	s3 =	sld [smem:$0x3FDB];
	s0 =	simm.s32 @p2 $0x1  }
0x17: {  	s4 =	simm.s32 $0x1BF5;
	[smem:$0x3FBA] =	sst s0  }
0x18: {  	s0 =	sld [smem:$0x3F9D];
	_ =	swait.ge [sflag:s4], $0x0  }
0x19: {  	s7 =	sld [smem:$0x3F9E]  }
0x1a: {  	s8 =	sadd.s32 $0xFFFFE003, lr  }
0x1b: {  	s9 =	sadd.s32 $0xFFFFFEF7, lr;
	s5 =	simm.s32 $0xFFFFFFFF;
	p2 =	slt.u32 s8, $0xFFFFF086  }
0x1c: {  	p1 =	slt.u32 s9, $0xF7A;
	s5 =	simm.s32 @!p2 $0x0  }
0x1d: {  	s5 =	simm.s32 @p1 $0x1;
	p0 =	seq.s32 s7, s2  }
0x1e: {  	s7 =	smul.u32 @!p0 $0xF7A, s2;
	p2 =	seq.s32 @!p0 s5, $0x0  }
0x1f: {  	s9 =	smul.u32 $0xF7A, s1;
	s8 =	simm.s32 @!p0 $0x1BF5;
	p2 =	por !p2, p0  }
0x20: {  	[sflag:s8] =	ssyncset.s32 @!p0 $0xFFFFF086;
	s6 =	sadd.s32 @!p0 s3, s7;
	s7 =	simm.s32 @!p0 $0x108  }
0x21: {  	s3 =	sadd.s32 s3, s9;
	s6 =	sadd.s32 @!p0 $0x88, s6;
	s7 =	simm.s32 @p2 $0x1082  }
0x22: {  	[simem:s7], [sflag:s8] =	dma.local @!p0 [hbm:s6], $0xF7A  }
0x23: {  	s9 =	sor.u32 $0xD0000000, s2;
	s6 =	simm.s32 $0x108;
	_ =	swait.ge @!p0 [sflag:s8], $0x0  }
0x24: {  	s3 =	sadd.s32 $0x88, s3;
	s6 =	simm.s32 @!p1 $0x1082;
	[sflag:s4] =	ssyncset.s32 $0xFFFFF086  }
0x25: {  	[simem:s6], [sflag:s4] =	dma.local [hbm:s3], $0xF7A  }
0x26: {  	[smem:$0x3F9E] =	sst s1;
	(tag) =	ssettag s2;
	_ =	strace s9  }
0x27: {  	s1 =	sld [smem:$0x3FAE]  }
0x28: {  	s2 =	sld [smem:$0x3FAF]  }
0x29: {  	s4 =	sld [smem:$0x3FB1]  }
0x2a: {  	p0 =	seq.s32 s5, $0x0;
	s5 =	sld [smem:$0x3FB2]  }
0x2b: {  	s6 =	sld [smem:$0x3FB3]  }
0x2c: {  	s7 =	sld [smem:$0x3FB4]  }
0x2d: {  	s3 =	simm.s32 $0x108;
	s8 =	sld [smem:$0x3FB5]  }
0x2e: {  	s3 =	simm.s32 @!p0 $0x1082;
	s9 =	sld [smem:$0x3FB6]  }
0x2f: {  	lr =	sadd.s32 s0, s3;
	s0 =	sld [smem:$0x3FAD]  }
0x30: {  	s3 =	sld [smem:$0x3FB0]  }
0x31: {  	[smem:$0x3FB9] =	sst s10  }
0x32: {  	s10 =	sld [smem:$0x3FB7];
	_ =	sdelay $0x3  }
0x33: {  	p0 =	seq.s32 s10, $0x1;
	s10 =	sld [smem:$0x3FB9];
	_ =	sdelay $0x3  }
0x34: {  	[smem:$0x3FB9] =	sst s10  }
0x35: {  	s10 =	sld [smem:$0x3FB8];
	_ =	sdelay $0x3  }
0x36: {  	p1 =	seq.s32 s10, $0x1;
	s10 =	sld [smem:$0x3FB9];
	_ =	sdelay $0x3  }
0x37: {  	[smem:$0x3FB9] =	sst s10  }
0x38: {  	s10 =	sld [smem:$0x3FBA]  }
0x39: {  	_ = 	snop;
	(pc) =	sbr.ind lr, $3  }
0x3a: {  	_ = 	snop  }
0x3b: {  	_ = 	snop  }
0x3c: {  	p2 =	seq.s32 s10, $0x1;
	s10 =	sld [smem:$0x3FB9]  }
0x3d: {  	_ =	shalt  }
0x3e: {  	_ =	shalt  }
0x3f: {  	_ =	shalt  }
0x40: {  	_ =	shalt  }
0x41: {  	_ =	shalt  }
0x42: {  	_ =	shalt  }
0x43: {  	_ =	shalt  }
0x44: {  	_ =	shalt  }
0x45: {  	_ =	shalt  }
0x46: {  	_ =	shalt  }
0x47: {  	_ =	shalt  }
0x48: {  	_ =	shalt  }
0x49: {  	_ =	shalt  }
0x4a: {  	_ =	shalt  }
0x4b: {  	_ =	shalt  }
0x4c: {  	_ =	shalt  }
0x4d: {  	_ =	shalt  }
0x4e: {  	_ =	shalt  }
0x4f: {  	_ =	shalt  }
0x50: {  	_ =	shalt  }
0x51: {  	_ =	shalt  }
0x52: {  	_ =	shalt  }
0x53: {  	_ =	shalt  }
0x54: {  	_ =	shalt  }
0x55: {  	_ =	shalt  }
0x56: {  	_ =	shalt  }
0x57: {  	_ =	shalt  }
0x58: {  	_ =	shalt  }
0x59: {  	_ =	shalt  }
0x5a: {  	_ =	shalt  }
0x5b: {  	_ =	shalt  }
0x5c: {  	_ =	shalt  }
0x5d: {  	_ =	shalt  }
0x5e: {  	_ =	shalt  }
0x5f: {  	_ =	shalt  }
0x60: {  	_ =	shalt  }
0x61: {  	_ =	shalt  }
0x62: {  	_ =	shalt  }
0x63: {  	_ =	shalt  }
0x64: {  	_ =	shalt  }
0x65: {  	_ =	shalt  }
0x66: {  	_ =	shalt  }
0x67: {  	_ =	shalt  }
0x68: {  	_ =	shalt  }
0x69: {  	_ =	shalt  }
0x6a: {  	_ =	shalt  }
0x6b: {  	_ =	shalt  }
0x6c: {  	_ =	shalt  }
0x6d: {  	_ =	shalt  }
0x6e: {  	_ =	shalt  }
0x6f: {  	_ =	shalt  }
0x70: {  	_ =	shalt  }
0x71: {  	_ =	shalt  }
0x72: {  	_ =	shalt  }
0x73: {  	_ =	shalt  }
0x74: {  	_ =	shalt  }
0x75: {  	_ =	shalt  }
0x76: {  	_ =	shalt  }
0x77: {  	_ =	shalt  }
0x78: {  	_ =	shalt  }
0x79: {  	_ =	shalt  }
0x7a: {  	_ =	shalt  }
0x7b: {  	_ =	shalt  }
0x7c: {  	_ =	shalt  }
0x7d: {  	_ =	shalt  }
0x7e: {  	_ =	shalt  }
0x7f: {  	_ =	shalt  }
0x80: {  	_ =	shalt  }
0x81: {  	_ =	shalt  }
0x82: {  	_ =	shalt  }
0x83: {  	_ =	shalt  }
0x84: {  	_ =	shalt  }
0x85: {  	_ =	shalt  }
0x86: {  	_ =	shalt  }
0x87: {  	_ =	shalt  }
.Lfunc_end0:
.L_simem_size_0:
called_computation_lowered:
.L_overlay_start_0:
0x88: {  	s2 =	sld [smem:$0x3FD9]  }
0x89: {  	s3 =	sld [smem:$0x3FFE];
	_ =	sdelay $0x1  }
0x8a: {  	s1 =	srdreg.scid  }
0x8b: {  	s0 =	sand.u32 $0x1, s1  }
0x8c: {  	s17 =	sshll.u32 s0, $0xA;
	s2 =	sadd.s32 s3, s2  }
0x8d: {  	s2 =	sadd.s32 s2, s17  }
0x8e: {  	[smem:$0x3FC5] =	sst s2  }
0x8f: {  	_ = 	snop  }
0x90: {  	s2 =	sld [smem:$0x3FC8]  }
0x91: {  	s18 =	sld [smem:$0x3FD0];
	(tm) =	ssettm $0x1  }
0x92: {  	s4 =	sld [smem:$0x3FFB];
	_ =	sdelay $0x3  }
0x93: {  	_ =	strace s4  }
0x94: {  	s4 =	sld [smem:$0x3FFC];
	_ =	sdelay $0x3  }
0x95: {  	_ =	strace s4  }
0x96: {  	s4 =	sld [smem:$0x3FFD];
	_ =	sdelay $0x3  }
0x97: {  	_ =	strace s4  }
0x98: {  	_ =	strace $0x8FFFFFFF  }
0x99: {  	s19 =	sld [smem:$0x3FDB];
	_ =	sdelay $0x1  }
0x9a: {  	s5 =	simm.s32 $_scs_section_size  }
0x9b: {  	s6 =	simm.s32 $_size__tile_overlayer_lowered;
	s7 =	simm.s32 $_tile_overlayer_lowered  }
0x9c: {  	s22 =	simm.s32 $0x1BFF;
	s21 =	sshll.u32 s7, $0x1;
	s4 =	sadd.s32 s5, s19  }
0x9d: {  	s8 =	simm.s32 $0x0;
	s20 =	sshll.u32 s6, $0x1;
	s6 =	sadd.s32 s21, s4  }
0x9e: {  	[timem:s8], [sflag:s22] =	dma.local [hbm:s6], s20  }
0x9f: {  	_ =	swait.ge [sflag:s22], s20  }
0xa0: {  	s5 =	ssub.s32 $0x0, s20;
	[sflag:s22] =	ssyncset.done $0x0  }
0xa1: {  	[sflag:s22] =	ssyncadd.s32 s5;
	_ =	sdelay $0x1  }
0xa2: {  	s23 =	simm.s32 $0x1B8B  }
0xa3: {  	_ =	swait.ge [sflag:s23], $0x1  }
0xa4: {  	[sflag:s23] =	ssyncset.done $0x0  }
0xa5: {  	s25 =	simm.s32 $0x1B8E;
	s24 =	sld [smem:$0x3FFE];
	[sflag:s23] =	ssyncadd.s32 $0xFFFFFFFF  }
0xa6: {  	s26 =	simm.s32 $execute0_lowered;
	[smem:$0x3FD2] =	sst s25  }
0xa7: {  	s6 =	sshll.u32 s26, $0x1;
	_ =	strace $0x80000046;
	[dreg:$0x1] =	wrdreg $0xFFFFFFFF  }
0xa8: {  	s28 =	simm.s32 $_size_execute0_lowered;
	s4 =	sadd.s32 s4, s6;
	[dreg:$0x0] =	wrdreg $0x0  }
0xa9: {  	s6 =	sshll.u32 s28, $0x1;
	[dreg:$0x2] =	wrdreg s4  }
0xaa: {  	[dreg:$0x3] =	wrdreg s6  }
0xab: {  	[dreg:$0x4] =	wrdreg $0xC0  }
0xac: {  	_ =	task [dreg:s8], $0x5FFFF  }
0xad: {  	[dreg:$0x1] =	wrdreg $0xFFFFFFFF  }
0xae: {  	[dreg:$0x0] =	wrdreg $0x60  }
0xaf: {  	[dreg:$0x2] =	wrdreg s24  }
0xb0: {  	[dreg:$0x3] =	wrdreg s2  }
0xb1: {  	[dreg:$0x4] =	wrdreg s18  }
0xb2: {  	[dreg:$0x5] =	wrdreg $0x9  }
0xb3: {  	_ =	task.clear_ibuf [dreg:s8], $0x6FFFF;
	_ =	strace $0x90000046  }
0xb4: {  	s29 =	simm.s32 $0x9;
	_ =	strace $0x80000048  }
0xb5: {  	_ =	swait.ge [sflag:s29], $0x1  }
0xb6: {  	[sflag:s29] =	ssyncadd.s32 $0xFFFFFFFF  }
0xb7: {  	_ =	strace $0x90000048  }
0xb8: {  	_ =	sfence  }
0xb9: {  	s30 =	sld [smem:$0x0];
	_ =	sdelay $0x2  }
0xba: {  	s31 =	sshll.u32 s1, $0xD;
	s1 =	sshrl.u32 s1, $0x2  }
0xbb: {  	s3 =	sand.u32 $0x4000, s31;
	s1 =	sadd.s32 s1, s30  }
0xbc: {  	s0 =	sor.u32 s3, s0;
	s1 =	sshll.u32 s1, $0x11  }
0xbd: {  	s0 =	sor.u32 s1, s0  }
0xbe: {  	s0 =	sadd.s32 $0x8F2B, s0  }
0xbf: {  	[sflag:s0] =	ssyncadd.remote.s32 $0x1  }
0xc0: {  	_ =	sfence.sel $0xFFFF  }
0xc1: {  	[dreg:$0x0] =	wrdreg $0xFFFFFFFF;
	(pc) =	sbr.abs _section_cstart, $3  }
0xc2: {  	[dreg:$0x1] =	wrdreg $0xFFFFFFFF  }
0xc3: {  	_ =	task.clear_ibuf [dreg:s8], $0x2FFFF;
	_ =	strace $0x9FFFFFFF  }
0xc4: {  	(tm) =	ssettm $0x7FFFFFFF  }
0xc5: {  	_ =	shalt  }
tec
execute0_lowered:
.L_overlay_start_1:
0x0: {  	(tag) =	ssettag $0x1  }
0x1: {  	s0 =	rddreg [dreg:$0x0]  }
0x2: {  	s1 =	rddreg [dreg:$0x1]  }
0x3: {  	s2 =	rddreg [dreg:$0x2];
	s4 =	srdreg.scid  }
0x4: {  	s3 =	simm.s32 $0x0;
	s13 =	stileid.u32;
	s4 =	sand.u32 $0x1, s4  }
0x5: {  	[smem:$0x7FF] =	sst s3;
	s6 =	sshll.u32 s13, $0x9;
	s5 =	ssub.s32 $0x2, s4  }
0x6: {  	s0 =	sadd.s32 $0x400, s0;
	s7 =	sshll.u32 s4, $0x8;
	s8 =	sshrl.u32 s5, $0x1  }
0x7: {  	_ =	strace $0x80000047;
	s6 =	sor.u32 s7, s6;
	s5 =	ssub.s32 s5, s8  }
0x8: {  	s7 =	sshrl.u32 s6, $0x3;
	s15 =	sor.u32 $0x2000, s6;
	s11 =	sor.u32 $0x4000, s6  }
0x9: {  	s12 =	sor.u32 $0x6000, s6;
	s19 =	sshll.u32 s6, $0x7;
	s7 =	sadd.s32 s0, s7  }
0xa: {  	s16 =	sshrl.u32 s15, $0x3;
	s14 =	sadd.s32 s2, s19;
	[dreg:$0x5] =	wrdreg s7  }
0xb: {  	s9 =	sshrl.u32 s11, $0x3;
	s8 =	sadd.s32 s0, s16;
	[dreg:$0x9] =	wrdreg s14  }
0xc: {  	s18 =	sshrl.u32 s12, $0x3;
	s17 =	sadd.s32 s0, s9;
	[dreg:$0x6] =	wrdreg s8  }
0xd: {  	s21 =	sshll.u32 s11, $0x7;
	s0 =	sadd.s32 s0, s18;
	[dreg:$0x7] =	wrdreg s17  }
0xe: {  	s22 =	sshll.u32 s12, $0x7;
	s23 =	sadd.s32 s2, s21;
	[dreg:$0x8] =	wrdreg s0  }
0xf: {  	s24 =	sadd.s32 s2, s22;
	[dreg:$0xb] =	wrdreg s23  }
0x10: {  	s28 =	simm.s32 $0x400;
	s25 =	sadd.s32 $0x400, s14;
	[dreg:$0xc] =	wrdreg s24  }
0x11: {  	s30 =	simm.s32 $0xC00;
	s26 =	sadd.s32 $0x100400, s14;
	[dreg:$0xd] =	wrdreg s25  }
0x12: {  	s31 =	simm.s32 $0x1400;
	s6 =	sadd.s32 $0x200400, s14;
	[dreg:$0xe] =	wrdreg s26  }
0x13: {  	s29 =	simm.s32 $0x6400;
	s7 =	sadd.s32 $0x300400, s14;
	[dreg:$0xf] =	wrdreg s6  }
0x14: {  	s10 =	sadd.s32 $0x300, s1;
	s11 =	sadd.s32 $0x800, s14;
	[dreg:$0x10] =	wrdreg s7  }
0x15: {  	s12 =	sshll.u32 s13, $0x10;
	s13 =	sadd.s32 $0x100800, s14;
	[dreg:$0x11] =	wrdreg s11  }
0x16: {  	s20 =	sshll.u32 s15, $0x7;
	s16 =	sadd.s32 $0x200800, s14;
	[dreg:$0x12] =	wrdreg s13  }
0x17: {  	s15 =	sshll.u32 s4, $0xF;
	s18 =	sadd.s32 $0xC00, s14;
	[dreg:$0x13] =	wrdreg s16  }
0x18: {  	s4 =	simm.s32 $0x0;
	s19 =	sadd.s32 $0x100C00, s14;
	[dreg:$0x15] =	wrdreg s18  }
0x19: {  	s9 =	sadd.s32 $0x200, s1;
	s21 =	sadd.s32 $0x200C00, s14;
	[dreg:$0x16] =	wrdreg s19  }
0x1a: {  	s22 =	sadd.s32 $0x300C00, s14;
	s8 =	sadd.s32 $0x100, s1;
	[dreg:$0x18] =	wrdreg s21  }
0x1b: {  	s0 =	sadd.s32 s2, s20;
	s17 =	sadd.s32 $0x300800, s14;
	[dreg:$0x19] =	wrdreg s22  }
0x1c: {  	s20 =	smax.u32 s5, $0x1;
	s23 =	sadd.s32 $0x7C00, s14;
	[dreg:$0xa] =	wrdreg s0  }
0x1d: {  	s24 =	sadd.s32 $0x107C00, s14;
	s25 =	sadd.s32 $0x207C00, s14;
	[dreg:$0x14] =	wrdreg s17  }
0x1e: {  	s26 =	sadd.s32 $0x307C00, s14;
	s16 =	simm.s32 $0x4400;
	[dreg:$0x17] =	wrdreg s20  }
0x1f: {  	s18 =	simm.s32 $0x5400;
	s7 =	simm.s32 $0x11400;
	[dreg:$0x1a] =	wrdreg s23  }
0x20: {  	s11 =	simm.s32 $0x12C00;
	s19 =	simm.s32 $0x2;
	[dreg:$0x1b] =	wrdreg s24  }
0x21: {  	s5 =	simm.s32 $0x3;
	s21 =	simm.s32 $0x5;
	[dreg:$0x1c] =	wrdreg s25  }
0x22: {  	s6 =	simm.s32 $0x6;
	s0 =	sadd.s32 s12, s2;
	[dreg:$0x1d] =	wrdreg s26  }
0x23: {  	s25 =	simm.s32 $0x1C00;
	s12 =	simm.s32 $0x2400;
	s26 =	simm.s32 $0x3400  }
0x24: {  	v0 =	vlaneseq.u32;
	s20 =	simm.s32 $0x3C00;
	s24 =	simm.s32 $0x4C00;
	s23 =	simm.s32 $0x5C00  }
0x25: {  	v1 =	vshrl.u32 v0, $0x3;
	s17 =	simm.s32 $0x1;
	s2 =	simm.s32 $0x4;
	s0 =	sadd.s32 s15, s0  }
0x26: {  	vm0 =	vmmov $0xffff;
	v0 =	vand.u32 $0x7, v0;
	v1 =	vmul.u32 $0x8, v1;
	s15 =	simm.s32 $0x14C00;
	[dreg:$0x4] =	wrdreg s0;
	s0 =	simm.s32 $0x2C00  }
.LBB2_1:
0x27: {  	[dreg:$0x1e] =	wrdreg s4  }
0x28: {  	s13 =	rddreg [dreg:$0x5];
	s14 =	simm.s32 $0x7  }
0x29: {  	[tilespmem:s3], [sflag:$0x7] =	stream.linear.gather [hbm4b:s13+s3], $0x100, $0x38;
	[tilespmem:$0x18400] =	vst v63  }
0x2a: {  	_ =	swait.ge [sflag:s14], $0x100  }
0x2b: {  	[sflag:s14] =	ssyncset.done $0x0  }
0x2c: {  	s22 =	simm.s32 $0x100;
	s13 =	rddreg [dreg:$0x6];
	[sflag:s14] =	ssyncadd.s32 $0xFFFFFF00  }
0x2d: {  	[tilespmem:s22], [sflag:$0x7] =	stream.linear.gather [hbm4b:s13+s3], $0x100, $0x38;
	[tilespmem:$0x18400] =	vst v63  }
0x2e: {  	_ =	swait.ge [sflag:s14], $0x100  }
0x2f: {  	[sflag:s14] =	ssyncset.done $0x0  }
0x30: {  	s22 =	simm.s32 $0x200;
	s13 =	rddreg [dreg:$0x7];
	[sflag:s14] =	ssyncadd.s32 $0xFFFFFF00  }
0x31: {  	[tilespmem:s22], [sflag:$0x7] =	stream.linear.gather [hbm4b:s13+s3], $0x100, $0x38;
	[tilespmem:$0x18400] =	vst v63  }
0x32: {  	_ =	swait.ge [sflag:s14], $0x100  }
0x33: {  	[sflag:s14] =	ssyncset.done $0x0  }
0x34: {  	s22 =	simm.s32 $0x300;
	s13 =	rddreg [dreg:$0x8];
	[sflag:s14] =	ssyncadd.s32 $0xFFFFFF00  }
0x35: {  	[tilespmem:s22], [sflag:$0x7] =	stream.linear.gather [hbm4b:s13+s3], $0x100, $0x38;
	[tilespmem:$0x18400] =	vst v63  }
0x36: {  	_ =	swait.ge [sflag:s14], $0x100  }
0x37: {  	[sflag:s14] =	ssyncset.done $0x0  }
0x38: {  	[sflag:s14] =	ssyncadd.s32 $0xFFFFFF00  }
0x39: {  	v2 =	vld.msk [tilespmem:$0x0], $0xff;
	_ =	sdelay $0x4  }
0x3a: {  	v3 =	vshll.u32 v2, $0x3  }
0x3b: {  	v2 =	vand.u32 $0x7, v2;
	v3 =	vand.u32 $0xFFFFFFC0, v3  }
0x3c: {  	v2 =	vor.u32 v2, v3  }
0x3d: {  	v2 =	vperm.xlane v2, v0;
	_ =	sdelay $0x1  }
0x3e: {  	v2 =	vadd.s32 v1, v2;
	_ =	sdelay $0x4  }
0x3f: {  	[tilespmem:s28], [sflag:$0x1] =	stream.indirect_vreg.gather [hbm4b:s1+s3], $0x80, v2, vm0, $0xb8;
	[tilespmem:$0x18400] =	vst v63  }
0x40: {  	_ = 	snop  }
0x41: {  	[tilespmem:s30], [sflag:$0x1] =	stream.indirect_vreg.gather [hbm4b:s8+s3], $0x80, v2, vm0, $0xb8;
	[tilespmem:$0x18400] =	vst v63  }
0x42: {  	_ = 	snop  }
0x43: {  	[tilespmem:s31], [sflag:$0x1] =	stream.indirect_vreg.gather [hbm4b:s9+s3], $0x80, v2, vm0, $0xb8;
	[tilespmem:$0x18400] =	vst v63  }
0x44: {  	_ = 	snop  }
0x45: {  	[tilespmem:s25], [sflag:$0x1] =	stream.indirect_vreg.gather [hbm4b:s10+s3], $0x80, v2, vm0, $0xb8;
	[tilespmem:$0x18400] =	vst v63  }
0x46: {  	v2 =	vld.msk [tilespmem:$0x100], $0xff;
	_ =	sdelay $0x4  }
0x47: {  	v3 =	vshll.u32 v2, $0x3  }
0x48: {  	v2 =	vand.u32 $0x7, v2;
	v3 =	vand.u32 $0xFFFFFFC0, v3  }
0x49: {  	v2 =	vor.u32 v2, v3  }
0x4a: {  	v2 =	vperm.xlane v2, v0;
	_ =	sdelay $0x1  }
0x4b: {  	v2 =	vadd.s32 v1, v2;
	_ =	sdelay $0x4  }
0x4c: {  	[tilespmem:s12], [sflag:$0x1] =	stream.indirect_vreg.gather [hbm4b:s1+s3], $0x80, v2, vm0, $0xb8;
	[tilespmem:$0x18400] =	vst v63  }
0x4d: {  	_ = 	snop  }
0x4e: {  	[tilespmem:s0], [sflag:$0x1] =	stream.indirect_vreg.gather [hbm4b:s8+s3], $0x80, v2, vm0, $0xb8;
	[tilespmem:$0x18400] =	vst v63  }
0x4f: {  	_ = 	snop  }
0x50: {  	[tilespmem:s26], [sflag:$0x1] =	stream.indirect_vreg.gather [hbm4b:s9+s3], $0x80, v2, vm0, $0xb8;
	[tilespmem:$0x18400] =	vst v63  }
0x51: {  	_ = 	snop  }
0x52: {  	[tilespmem:s20], [sflag:$0x1] =	stream.indirect_vreg.gather [hbm4b:s10+s3], $0x80, v2, vm0, $0xb8;
	[tilespmem:$0x18400] =	vst v63  }
0x53: {  	v2 =	vld.msk [tilespmem:$0x200], $0xff;
	_ =	sdelay $0x4  }
0x54: {  	v3 =	vshll.u32 v2, $0x3  }
0x55: {  	v2 =	vand.u32 $0x7, v2;
	v3 =	vand.u32 $0xFFFFFFC0, v3  }
0x56: {  	v2 =	vor.u32 v2, v3  }
0x57: {  	v2 =	vperm.xlane v2, v0;
	_ =	sdelay $0x1  }
0x58: {  	v2 =	vadd.s32 v1, v2;
	_ =	sdelay $0x4  }
0x59: {  	[tilespmem:s16], [sflag:$0x1] =	stream.indirect_vreg.gather [hbm4b:s1+s3], $0x80, v2, vm0, $0xb8;
	[tilespmem:$0x18400] =	vst v63  }
0x5a: {  	_ = 	snop  }
0x5b: {  	[tilespmem:s24], [sflag:$0x1] =	stream.indirect_vreg.gather [hbm4b:s8+s3], $0x80, v2, vm0, $0xb8;
	[tilespmem:$0x18400] =	vst v63  }
0x5c: {  	_ = 	snop  }
0x5d: {  	[tilespmem:s18], [sflag:$0x1] =	stream.indirect_vreg.gather [hbm4b:s9+s3], $0x80, v2, vm0, $0xb8;
	[tilespmem:$0x18400] =	vst v63  }
0x5e: {  	_ = 	snop  }
0x5f: {  	[tilespmem:s23], [sflag:$0x1] =	stream.indirect_vreg.gather [hbm4b:s10+s3], $0x80, v2, vm0, $0xb8;
	[tilespmem:$0x18400] =	vst v63  }
0x60: {  	v2 =	vld.msk [tilespmem:$0x300], $0xff;
	_ =	sdelay $0x4  }
0x61: {  	v3 =	vshll.u32 v2, $0x3  }
0x62: {  	v2 =	vand.u32 $0x7, v2;
	v3 =	vand.u32 $0xFFFFFFC0, v3  }
0x63: {  	v2 =	vor.u32 v2, v3  }
0x64: {  	v2 =	vperm.xlane v2, v0;
	_ =	sdelay $0x1  }
0x65: {  	v2 =	vadd.s32 v1, v2;
	_ =	sdelay $0x4  }
0x66: {  	[tilespmem:s29], [sflag:$0x1] =	stream.indirect_vreg.gather [hbm4b:s1+s3], $0x80, v2, vm0, $0xb8;
	[tilespmem:$0x18400] =	vst v63  }
0x67: {  	s4 =	simm.s32 $0x6C00  }
0x68: {  	[tilespmem:s4], [sflag:$0x1] =	stream.indirect_vreg.gather [hbm4b:s8+s3], $0x80, v2, vm0, $0xb8;
	[tilespmem:$0x18400] =	vst v63  }
0x69: {  	s14 =	simm.s32 $0x7400  }
0x6a: {  	[tilespmem:s14], [sflag:$0x1] =	stream.indirect_vreg.gather [hbm4b:s9+s3], $0x80, v2, vm0, $0xb8;
	[tilespmem:$0x18400] =	vst v63  }
0x6b: {  	s22 =	simm.s32 $0x7C00  }
0x6c: {  	[tilespmem:s22], [sflag:$0x1] =	stream.indirect_vreg.gather [hbm4b:s10+s3], $0x80, v2, vm0, $0xb8;
	[tilespmem:$0x18400] =	vst v63  }
0x6d: {  	v2 =	vld.msk [tilespmem:$0x8], $0xff;
	_ =	sdelay $0x4  }
0x6e: {  	v3 =	vshll.u32 v2, $0x3  }
0x6f: {  	v2 =	vand.u32 $0x7, v2;
	v3 =	vand.u32 $0xFFFFFFC0, v3  }
0x70: {  	v2 =	vor.u32 v2, v3  }
0x71: {  	v2 =	vperm.xlane v2, v0;
	_ =	sdelay $0x1  }
0x72: {  	v2 =	vadd.s32 v1, v2;
	_ =	sdelay $0x3  }
0x73: {  	s13 =	simm.s32 $0x8400  }
0x74: {  	[tilespmem:s13], [sflag:$0x2] =	stream.indirect_vreg.gather [hbm4b:s1+s3], $0x80, v2, vm0, $0xb8;
	[tilespmem:$0x18400] =	vst v63  }
0x75: {  	s14 =	simm.s32 $0x8C00  }
0x76: {  	[tilespmem:s14], [sflag:$0x2] =	stream.indirect_vreg.gather [hbm4b:s8+s3], $0x80, v2, vm0, $0xb8;
	[tilespmem:$0x18400] =	vst v63  }
0x77: {  	s22 =	simm.s32 $0x9400  }
0x78: {  	[tilespmem:s22], [sflag:$0x2] =	stream.indirect_vreg.gather [hbm4b:s9+s3], $0x80, v2, vm0, $0xb8;
	[tilespmem:$0x18400] =	vst v63  }
0x79: {  	s13 =	simm.s32 $0x9C00  }
0x7a: {  	[tilespmem:s13], [sflag:$0x2] =	stream.indirect_vreg.gather [hbm4b:s10+s3], $0x80, v2, vm0, $0xb8;
	[tilespmem:$0x18400] =	vst v63  }
0x7b: {  	v2 =	vld.msk [tilespmem:$0x108], $0xff;
	_ =	sdelay $0x4  }
0x7c: {  	v3 =	vshll.u32 v2, $0x3  }
0x7d: {  	v2 =	vand.u32 $0x7, v2;
	v3 =	vand.u32 $0xFFFFFFC0, v3  }
0x7e: {  	v2 =	vor.u32 v2, v3  }
0x7f: {  	v2 =	vperm.xlane v2, v0;
	_ =	sdelay $0x1  }
0x80: {  	v2 =	vadd.s32 v1, v2;
	_ =	sdelay $0x3  }
0x81: {  	s14 =	simm.s32 $0xA400  }
0x82: {  	[tilespmem:s14], [sflag:$0x2] =	stream.indirect_vreg.gather [hbm4b:s1+s3], $0x80, v2, vm0, $0xb8;
	[tilespmem:$0x18400] =	vst v63  }
0x83: {  	s22 =	simm.s32 $0xAC00  }
0x84: {  	[tilespmem:s22], [sflag:$0x2] =	stream.indirect_vreg.gather [hbm4b:s8+s3], $0x80, v2, vm0, $0xb8;
	[tilespmem:$0x18400] =	vst v63  }
0x85: {  	s13 =	simm.s32 $0xB400  }
0x86: {  	[tilespmem:s13], [sflag:$0x2] =	stream.indirect_vreg.gather [hbm4b:s9+s3], $0x80, v2, vm0, $0xb8;
	[tilespmem:$0x18400] =	vst v63  }
0x87: {  	s14 =	simm.s32 $0xBC00  }
0x88: {  	[tilespmem:s14], [sflag:$0x2] =	stream.indirect_vreg.gather [hbm4b:s10+s3], $0x80, v2, vm0, $0xb8;
	[tilespmem:$0x18400] =	vst v63  }
0x89: {  	v2 =	vld.msk [tilespmem:$0x208], $0xff;
	_ =	sdelay $0x4  }
0x8a: {  	v3 =	vshll.u32 v2, $0x3  }
0x8b: {  	v2 =	vand.u32 $0x7, v2;
	v3 =	vand.u32 $0xFFFFFFC0, v3  }
0x8c: {  	v2 =	vor.u32 v2, v3  }
0x8d: {  	v2 =	vperm.xlane v2, v0;
	_ =	sdelay $0x1  }
0x8e: {  	v2 =	vadd.s32 v1, v2;
	_ =	sdelay $0x3  }
0x8f: {  	s22 =	simm.s32 $0xC400  }
0x90: {  	[tilespmem:s22], [sflag:$0x2] =	stream.indirect_vreg.gather [hbm4b:s1+s3], $0x80, v2, vm0, $0xb8;
	[tilespmem:$0x18400] =	vst v63  }
0x91: {  	s13 =	simm.s32 $0xCC00  }
0x92: {  	[tilespmem:s13], [sflag:$0x2] =	stream.indirect_vreg.gather [hbm4b:s8+s3], $0x80, v2, vm0, $0xb8;
	[tilespmem:$0x18400] =	vst v63  }
0x93: {  	s14 =	simm.s32 $0xD400  }
0x94: {  	[tilespmem:s14], [sflag:$0x2] =	stream.indirect_vreg.gather [hbm4b:s9+s3], $0x80, v2, vm0, $0xb8;
	[tilespmem:$0x18400] =	vst v63  }
0x95: {  	s22 =	simm.s32 $0xDC00  }
0x96: {  	[tilespmem:s22], [sflag:$0x2] =	stream.indirect_vreg.gather [hbm4b:s10+s3], $0x80, v2, vm0, $0xb8;
	[tilespmem:$0x18400] =	vst v63  }
0x97: {  	v2 =	vld.msk [tilespmem:$0x308], $0xff;
	_ =	sdelay $0x4  }
0x98: {  	v3 =	vshll.u32 v2, $0x3  }
0x99: {  	v2 =	vand.u32 $0x7, v2;
	v3 =	vand.u32 $0xFFFFFFC0, v3  }
0x9a: {  	v2 =	vor.u32 v2, v3  }
0x9b: {  	v2 =	vperm.xlane v2, v0;
	_ =	sdelay $0x1  }
0x9c: {  	v2 =	vadd.s32 v1, v2;
	_ =	sdelay $0x3  }
0x9d: {  	s13 =	simm.s32 $0xE400  }
0x9e: {  	[tilespmem:s13], [sflag:$0x2] =	stream.indirect_vreg.gather [hbm4b:s1+s3], $0x80, v2, vm0, $0xb8;
	[tilespmem:$0x18400] =	vst v63  }
0x9f: {  	s14 =	simm.s32 $0xEC00  }
0xa0: {  	[tilespmem:s14], [sflag:$0x2] =	stream.indirect_vreg.gather [hbm4b:s8+s3], $0x80, v2, vm0, $0xb8;
	[tilespmem:$0x18400] =	vst v63  }
0xa1: {  	s22 =	simm.s32 $0xF400  }
0xa2: {  	[tilespmem:s22], [sflag:$0x2] =	stream.indirect_vreg.gather [hbm4b:s9+s3], $0x80, v2, vm0, $0xb8;
	[tilespmem:$0x18400] =	vst v63  }
0xa3: {  	s13 =	simm.s32 $0xFC00  }
0xa4: {  	[tilespmem:s13], [sflag:$0x2] =	stream.indirect_vreg.gather [hbm4b:s10+s3], $0x80, v2, vm0, $0xb8;
	[tilespmem:$0x18400] =	vst v63  }
0xa5: {  	_ =	swait.ge [sflag:s17], $0x8000  }
0xa6: {  	[sflag:s17] =	ssyncset.done $0x0  }
0xa7: {  	s14 =	rddreg [dreg:$0x9];
	[sflag:s17] =	ssyncadd.s32 $0xFFFF8000  }
0xa8: {  	[hbm4b:s14+s3] =	stream.linear.scatter [tilespmem:s28], [sflag:$0x4], $0x2000, $0x38;
	[tilespmem:$0x18400] =	vst v63  }
0xa9: {  	s22 =	rddreg [dreg:$0xa]  }
0xaa: {  	[hbm4b:s22+s3] =	stream.linear.scatter [tilespmem:s12], [sflag:$0x4], $0x2000, $0x38;
	[tilespmem:$0x18400] =	vst v63  }
0xab: {  	s4 =	rddreg [dreg:$0xb]  }
0xac: {  	[hbm4b:s4+s3] =	stream.linear.scatter [tilespmem:s16], [sflag:$0x4], $0x2000, $0x38;
	[tilespmem:$0x18400] =	vst v63  }
0xad: {  	s14 =	rddreg [dreg:$0xc]  }
0xae: {  	[hbm4b:s14+s3] =	stream.linear.scatter [tilespmem:s29], [sflag:$0x4], $0x2000, $0x38;
	[tilespmem:$0x18400] =	vst v63  }
0xaf: {  	v2 =	vld.msk [tilespmem:$0x10], $0xff;
	_ =	sdelay $0x4  }
0xb0: {  	v3 =	vshll.u32 v2, $0x3  }
0xb1: {  	v2 =	vand.u32 $0x7, v2;
	v3 =	vand.u32 $0xFFFFFFC0, v3  }
0xb2: {  	v2 =	vor.u32 v2, v3  }
0xb3: {  	v2 =	vperm.xlane v2, v0;
	_ =	sdelay $0x1  }
0xb4: {  	v2 =	vadd.s32 v1, v2;
	_ =	sdelay $0x3  }
0xb5: {  	s4 =	simm.s32 $0x10400  }
0xb6: {  	[tilespmem:s4], [sflag:$0x3] =	stream.indirect_vreg.gather [hbm4b:s1+s3], $0x80, v2, vm0, $0xb8;
	[tilespmem:$0x18400] =	vst v63  }
0xb7: {  	s22 =	simm.s32 $0x10C00  }
0xb8: {  	[tilespmem:s22], [sflag:$0x3] =	stream.indirect_vreg.gather [hbm4b:s8+s3], $0x80, v2, vm0, $0xb8;
	[tilespmem:$0x18400] =	vst v63  }
0xb9: {  	_ = 	snop  }
0xba: {  	[tilespmem:s7], [sflag:$0x3] =	stream.indirect_vreg.gather [hbm4b:s9+s3], $0x80, v2, vm0, $0xb8;
	[tilespmem:$0x18400] =	vst v63  }
0xbb: {  	s14 =	simm.s32 $0x11C00  }
0xbc: {  	[tilespmem:s14], [sflag:$0x3] =	stream.indirect_vreg.gather [hbm4b:s10+s3], $0x80, v2, vm0, $0xb8;
	[tilespmem:$0x18400] =	vst v63  }
0xbd: {  	v2 =	vld.msk [tilespmem:$0x110], $0xff;
	_ =	sdelay $0x4  }
0xbe: {  	v3 =	vshll.u32 v2, $0x3  }
0xbf: {  	v2 =	vand.u32 $0x7, v2;
	v3 =	vand.u32 $0xFFFFFFC0, v3  }
0xc0: {  	v2 =	vor.u32 v2, v3  }
0xc1: {  	v2 =	vperm.xlane v2, v0;
	_ =	sdelay $0x1  }
0xc2: {  	v2 =	vadd.s32 v1, v2;
	_ =	sdelay $0x3  }
0xc3: {  	s7 =	simm.s32 $0x12400  }
0xc4: {  	[tilespmem:s7], [sflag:$0x3] =	stream.indirect_vreg.gather [hbm4b:s1+s3], $0x80, v2, vm0, $0xb8;
	[tilespmem:$0x18400] =	vst v63  }
0xc5: {  	_ = 	snop  }
0xc6: {  	[tilespmem:s11], [sflag:$0x3] =	stream.indirect_vreg.gather [hbm4b:s8+s3], $0x80, v2, vm0, $0xb8;
	[tilespmem:$0x18400] =	vst v63  }
0xc7: {  	s22 =	simm.s32 $0x13400  }
0xc8: {  	[tilespmem:s22], [sflag:$0x3] =	stream.indirect_vreg.gather [hbm4b:s9+s3], $0x80, v2, vm0, $0xb8;
	[tilespmem:$0x18400] =	vst v63  }
0xc9: {  	s13 =	simm.s32 $0x13C00  }
0xca: {  	[tilespmem:s13], [sflag:$0x3] =	stream.indirect_vreg.gather [hbm4b:s10+s3], $0x80, v2, vm0, $0xb8;
	[tilespmem:$0x18400] =	vst v63  }
0xcb: {  	v2 =	vld.msk [tilespmem:$0x210], $0xff;
	_ =	sdelay $0x4  }
0xcc: {  	v3 =	vshll.u32 v2, $0x3  }
0xcd: {  	v2 =	vand.u32 $0x7, v2;
	v3 =	vand.u32 $0xFFFFFFC0, v3  }
0xce: {  	v2 =	vor.u32 v2, v3  }
0xcf: {  	v2 =	vperm.xlane v2, v0;
	_ =	sdelay $0x1  }
0xd0: {  	v2 =	vadd.s32 v1, v2;
	_ =	sdelay $0x3  }
0xd1: {  	s11 =	simm.s32 $0x14400  }
0xd2: {  	[tilespmem:s11], [sflag:$0x3] =	stream.indirect_vreg.gather [hbm4b:s1+s3], $0x80, v2, vm0, $0xb8;
	[tilespmem:$0x18400] =	vst v63  }
0xd3: {  	_ = 	snop  }
0xd4: {  	[tilespmem:s15], [sflag:$0x3] =	stream.indirect_vreg.gather [hbm4b:s8+s3], $0x80, v2, vm0, $0xb8;
	[tilespmem:$0x18400] =	vst v63  }
0xd5: {  	s14 =	simm.s32 $0x15400  }
0xd6: {  	[tilespmem:s14], [sflag:$0x3] =	stream.indirect_vreg.gather [hbm4b:s9+s3], $0x80, v2, vm0, $0xb8;
	[tilespmem:$0x18400] =	vst v63  }
0xd7: {  	s15 =	simm.s32 $0x15C00  }
0xd8: {  	[tilespmem:s15], [sflag:$0x3] =	stream.indirect_vreg.gather [hbm4b:s10+s3], $0x80, v2, vm0, $0xb8;
	[tilespmem:$0x18400] =	vst v63  }
0xd9: {  	v2 =	vld.msk [tilespmem:$0x310], $0xff;
	_ =	sdelay $0x4  }
0xda: {  	v3 =	vshll.u32 v2, $0x3  }
0xdb: {  	v2 =	vand.u32 $0x7, v2;
	v3 =	vand.u32 $0xFFFFFFC0, v3  }
0xdc: {  	v2 =	vor.u32 v2, v3  }
0xdd: {  	v2 =	vperm.xlane v2, v0;
	_ =	sdelay $0x1  }
0xde: {  	v2 =	vadd.s32 v1, v2;
	_ =	sdelay $0x3  }
0xdf: {  	s15 =	simm.s32 $0x16400  }
0xe0: {  	[tilespmem:s15], [sflag:$0x3] =	stream.indirect_vreg.gather [hbm4b:s1+s3], $0x80, v2, vm0, $0xb8;
	[tilespmem:$0x18400] =	vst v63  }
0xe1: {  	s22 =	simm.s32 $0x16C00  }
0xe2: {  	[tilespmem:s22], [sflag:$0x3] =	stream.indirect_vreg.gather [hbm4b:s8+s3], $0x80, v2, vm0, $0xb8;
	[tilespmem:$0x18400] =	vst v63  }
0xe3: {  	s14 =	simm.s32 $0x17400  }
0xe4: {  	[tilespmem:s14], [sflag:$0x3] =	stream.indirect_vreg.gather [hbm4b:s9+s3], $0x80, v2, vm0, $0xb8;
	[tilespmem:$0x18400] =	vst v63  }
0xe5: {  	s22 =	simm.s32 $0x17C00  }
0xe6: {  	[tilespmem:s22], [sflag:$0x3] =	stream.indirect_vreg.gather [hbm4b:s10+s3], $0x80, v2, vm0, $0xb8;
	[tilespmem:$0x18400] =	vst v63  }
0xe7: {  	_ =	swait.ge [sflag:s19], $0x8000  }
0xe8: {  	[sflag:s19] =	ssyncset.done $0x0  }
0xe9: {  	s22 =	simm.s32 $0x8400;
	s14 =	rddreg [dreg:$0xd];
	[sflag:s19] =	ssyncadd.s32 $0xFFFF8000  }
0xea: {  	[hbm4b:s14+s3] =	stream.linear.scatter [tilespmem:s22], [sflag:$0x5], $0x2000, $0x38;
	[tilespmem:$0x18400] =	vst v63  }
0xeb: {  	s22 =	rddreg [dreg:$0xe];
	s14 =	simm.s32 $0xA400  }
0xec: {  	[hbm4b:s22+s3] =	stream.linear.scatter [tilespmem:s14], [sflag:$0x5], $0x2000, $0x38;
	[tilespmem:$0x18400] =	vst v63  }
0xed: {  	s13 =	rddreg [dreg:$0xf];
	s22 =	simm.s32 $0xC400  }
0xee: {  	[hbm4b:s13+s3] =	stream.linear.scatter [tilespmem:s22], [sflag:$0x5], $0x2000, $0x38;
	[tilespmem:$0x18400] =	vst v63  }
0xef: {  	s13 =	rddreg [dreg:$0x10];
	s22 =	simm.s32 $0xE400  }
0xf0: {  	[hbm4b:s13+s3] =	stream.linear.scatter [tilespmem:s22], [sflag:$0x5], $0x2000, $0x38;
	[tilespmem:$0x18400] =	vst v63  }
0xf1: {  	_ =	swait.ge [sflag:s2], $0x8000  }
0xf2: {  	[sflag:s2] =	ssyncset.done $0x0  }
0xf3: {  	[sflag:s2] =	ssyncadd.s32 $0xFFFF8000  }
0xf4: {  	v2 =	vld.msk [tilespmem:$0x18], $0xff;
	_ =	sdelay $0x4  }
0xf5: {  	v3 =	vshll.u32 v2, $0x3  }
0xf6: {  	v2 =	vand.u32 $0x7, v2;
	v3 =	vand.u32 $0xFFFFFFC0, v3  }
0xf7: {  	v2 =	vor.u32 v2, v3  }
0xf8: {  	v2 =	vperm.xlane v2, v0;
	_ =	sdelay $0x1  }
0xf9: {  	v2 =	vadd.s32 v1, v2;
	_ =	sdelay $0x4  }
0xfa: {  	[tilespmem:s28], [sflag:$0x1] =	stream.indirect_vreg.gather [hbm4b:s1+s3], $0x80, v2, vm0, $0xb8;
	[tilespmem:$0x18400] =	vst v63  }
0xfb: {  	_ = 	snop  }
0xfc: {  	[tilespmem:s30], [sflag:$0x1] =	stream.indirect_vreg.gather [hbm4b:s8+s3], $0x80, v2, vm0, $0xb8;
	[tilespmem:$0x18400] =	vst v63  }
0xfd: {  	_ = 	snop  }
0xfe: {  	[tilespmem:s31], [sflag:$0x1] =	stream.indirect_vreg.gather [hbm4b:s9+s3], $0x80, v2, vm0, $0xb8;
	[tilespmem:$0x18400] =	vst v63  }
0xff: {  	_ = 	snop  }
0x100: {  	[tilespmem:s25], [sflag:$0x1] =	stream.indirect_vreg.gather [hbm4b:s10+s3], $0x80, v2, vm0, $0xb8;
	[tilespmem:$0x18400] =	vst v63  }
0x101: {  	v2 =	vld.msk [tilespmem:$0x118], $0xff;
	_ =	sdelay $0x4  }
0x102: {  	v3 =	vshll.u32 v2, $0x3  }
0x103: {  	v2 =	vand.u32 $0x7, v2;
	v3 =	vand.u32 $0xFFFFFFC0, v3  }
0x104: {  	v2 =	vor.u32 v2, v3  }
0x105: {  	v2 =	vperm.xlane v2, v0;
	_ =	sdelay $0x1  }
0x106: {  	v2 =	vadd.s32 v1, v2;
	_ =	sdelay $0x4  }
0x107: {  	[tilespmem:s12], [sflag:$0x1] =	stream.indirect_vreg.gather [hbm4b:s1+s3], $0x80, v2, vm0, $0xb8;
	[tilespmem:$0x18400] =	vst v63  }
0x108: {  	_ = 	snop  }
0x109: {  	[tilespmem:s0], [sflag:$0x1] =	stream.indirect_vreg.gather [hbm4b:s8+s3], $0x80, v2, vm0, $0xb8;
	[tilespmem:$0x18400] =	vst v63  }
0x10a: {  	_ = 	snop  }
0x10b: {  	[tilespmem:s26], [sflag:$0x1] =	stream.indirect_vreg.gather [hbm4b:s9+s3], $0x80, v2, vm0, $0xb8;
	[tilespmem:$0x18400] =	vst v63  }
0x10c: {  	_ = 	snop  }
0x10d: {  	[tilespmem:s20], [sflag:$0x1] =	stream.indirect_vreg.gather [hbm4b:s10+s3], $0x80, v2, vm0, $0xb8;
	[tilespmem:$0x18400] =	vst v63  }
0x10e: {  	v2 =	vld.msk [tilespmem:$0x218], $0xff;
	_ =	sdelay $0x4  }
0x10f: {  	v3 =	vshll.u32 v2, $0x3  }
0x110: {  	v2 =	vand.u32 $0x7, v2;
	v3 =	vand.u32 $0xFFFFFFC0, v3  }
0x111: {  	v2 =	vor.u32 v2, v3  }
0x112: {  	v2 =	vperm.xlane v2, v0;
	_ =	sdelay $0x1  }
0x113: {  	v2 =	vadd.s32 v1, v2;
	_ =	sdelay $0x4  }
0x114: {  	[tilespmem:s16], [sflag:$0x1] =	stream.indirect_vreg.gather [hbm4b:s1+s3], $0x80, v2, vm0, $0xb8;
	[tilespmem:$0x18400] =	vst v63  }
0x115: {  	_ = 	snop  }
0x116: {  	[tilespmem:s24], [sflag:$0x1] =	stream.indirect_vreg.gather [hbm4b:s8+s3], $0x80, v2, vm0, $0xb8;
	[tilespmem:$0x18400] =	vst v63  }
0x117: {  	_ = 	snop  }
0x118: {  	[tilespmem:s18], [sflag:$0x1] =	stream.indirect_vreg.gather [hbm4b:s9+s3], $0x80, v2, vm0, $0xb8;
	[tilespmem:$0x18400] =	vst v63  }
0x119: {  	_ = 	snop  }
0x11a: {  	[tilespmem:s23], [sflag:$0x1] =	stream.indirect_vreg.gather [hbm4b:s10+s3], $0x80, v2, vm0, $0xb8;
	[tilespmem:$0x18400] =	vst v63  }
0x11b: {  	v2 =	vld.msk [tilespmem:$0x318], $0xff;
	_ =	sdelay $0x4  }
0x11c: {  	v3 =	vshll.u32 v2, $0x3  }
0x11d: {  	v2 =	vand.u32 $0x7, v2;
	v3 =	vand.u32 $0xFFFFFFC0, v3  }
0x11e: {  	v2 =	vor.u32 v2, v3  }
0x11f: {  	v2 =	vperm.xlane v2, v0;
	_ =	sdelay $0x1  }
0x120: {  	v2 =	vadd.s32 v1, v2;
	_ =	sdelay $0x4  }
0x121: {  	[tilespmem:s29], [sflag:$0x1] =	stream.indirect_vreg.gather [hbm4b:s1+s3], $0x80, v2, vm0, $0xb8;
	[tilespmem:$0x18400] =	vst v63  }
0x122: {  	s20 =	simm.s32 $0x6C00  }
0x123: {  	[tilespmem:s20], [sflag:$0x1] =	stream.indirect_vreg.gather [hbm4b:s8+s3], $0x80, v2, vm0, $0xb8;
	[tilespmem:$0x18400] =	vst v63  }
0x124: {  	s23 =	simm.s32 $0x7400  }
0x125: {  	[tilespmem:s23], [sflag:$0x1] =	stream.indirect_vreg.gather [hbm4b:s9+s3], $0x80, v2, vm0, $0xb8;
	[tilespmem:$0x18400] =	vst v63  }
0x126: {  	s24 =	simm.s32 $0x7C00  }
0x127: {  	[tilespmem:s24], [sflag:$0x1] =	stream.indirect_vreg.gather [hbm4b:s10+s3], $0x80, v2, vm0, $0xb8;
	[tilespmem:$0x18400] =	vst v63  }
0x128: {  	_ =	swait.ge [sflag:s5], $0x8000  }
0x129: {  	[sflag:s5] =	ssyncset.done $0x0  }
0x12a: {  	s25 =	rddreg [dreg:$0x11];
	[sflag:s5] =	ssyncadd.s32 $0xFFFF8000  }
0x12b: {  	[hbm4b:s25+s3] =	stream.linear.scatter [tilespmem:s4], [sflag:$0x6], $0x2000, $0x38;
	[tilespmem:$0x18400] =	vst v63  }
0x12c: {  	s26 =	rddreg [dreg:$0x12]  }
0x12d: {  	[hbm4b:s26+s3] =	stream.linear.scatter [tilespmem:s7], [sflag:$0x6], $0x2000, $0x38;
	[tilespmem:$0x18400] =	vst v63  }
0x12e: {  	s31 =	rddreg [dreg:$0x13]  }
0x12f: {  	[hbm4b:s31+s3] =	stream.linear.scatter [tilespmem:s11], [sflag:$0x6], $0x2000, $0x38;
	[tilespmem:$0x18400] =	vst v63  }
0x130: {  	s0 =	rddreg [dreg:$0x14]  }
0x131: {  	[hbm4b:s0+s3] =	stream.linear.scatter [tilespmem:s15], [sflag:$0x6], $0x2000, $0x38;
	[tilespmem:$0x18400] =	vst v63  }
0x132: {  	_ =	swait.ge [sflag:s21], $0x8000  }
0x133: {  	[sflag:s21] =	ssyncset.done $0x0  }
0x134: {  	[sflag:s21] =	ssyncadd.s32 $0xFFFF8000  }
0x135: {  	v2 =	vld.msk [tilespmem:$0x20], $0xff;
	_ =	sdelay $0x4  }
0x136: {  	v3 =	vshll.u32 v2, $0x3  }
0x137: {  	v2 =	vand.u32 $0x7, v2;
	v3 =	vand.u32 $0xFFFFFFC0, v3  }
0x138: {  	v2 =	vor.u32 v2, v3  }
0x139: {  	v2 =	vperm.xlane v2, v0;
	_ =	sdelay $0x1  }
0x13a: {  	v2 =	vadd.s32 v1, v2;
	_ =	sdelay $0x3  }
0x13b: {  	s18 =	simm.s32 $0x8400  }
0x13c: {  	[tilespmem:s18], [sflag:$0x2] =	stream.indirect_vreg.gather [hbm4b:s1+s3], $0x80, v2, vm0, $0xb8;
	[tilespmem:$0x18400] =	vst v63  }
0x13d: {  	s20 =	simm.s32 $0x8C00  }
0x13e: {  	[tilespmem:s20], [sflag:$0x2] =	stream.indirect_vreg.gather [hbm4b:s8+s3], $0x80, v2, vm0, $0xb8;
	[tilespmem:$0x18400] =	vst v63  }
0x13f: {  	s23 =	simm.s32 $0x9400  }
0x140: {  	[tilespmem:s23], [sflag:$0x2] =	stream.indirect_vreg.gather [hbm4b:s9+s3], $0x80, v2, vm0, $0xb8;
	[tilespmem:$0x18400] =	vst v63  }
0x141: {  	s24 =	simm.s32 $0x9C00  }
0x142: {  	[tilespmem:s24], [sflag:$0x2] =	stream.indirect_vreg.gather [hbm4b:s10+s3], $0x80, v2, vm0, $0xb8;
	[tilespmem:$0x18400] =	vst v63  }
0x143: {  	v2 =	vld.msk [tilespmem:$0x120], $0xff;
	_ =	sdelay $0x4  }
0x144: {  	v3 =	vshll.u32 v2, $0x3  }
0x145: {  	v2 =	vand.u32 $0x7, v2;
	v3 =	vand.u32 $0xFFFFFFC0, v3  }
0x146: {  	v2 =	vor.u32 v2, v3  }
0x147: {  	v2 =	vperm.xlane v2, v0;
	_ =	sdelay $0x1  }
0x148: {  	v2 =	vadd.s32 v1, v2;
	_ =	sdelay $0x4  }
0x149: {  	[tilespmem:s14], [sflag:$0x2] =	stream.indirect_vreg.gather [hbm4b:s1+s3], $0x80, v2, vm0, $0xb8;
	[tilespmem:$0x18400] =	vst v63  }
0x14a: {  	s25 =	simm.s32 $0xAC00  }
0x14b: {  	[tilespmem:s25], [sflag:$0x2] =	stream.indirect_vreg.gather [hbm4b:s8+s3], $0x80, v2, vm0, $0xb8;
	[tilespmem:$0x18400] =	vst v63  }
0x14c: {  	s26 =	simm.s32 $0xB400  }
0x14d: {  	[tilespmem:s26], [sflag:$0x2] =	stream.indirect_vreg.gather [hbm4b:s9+s3], $0x80, v2, vm0, $0xb8;
	[tilespmem:$0x18400] =	vst v63  }
0x14e: {  	s31 =	simm.s32 $0xBC00  }
0x14f: {  	[tilespmem:s31], [sflag:$0x2] =	stream.indirect_vreg.gather [hbm4b:s10+s3], $0x80, v2, vm0, $0xb8;
	[tilespmem:$0x18400] =	vst v63  }
0x150: {  	v2 =	vld.msk [tilespmem:$0x220], $0xff;
	_ =	sdelay $0x4  }
0x151: {  	v3 =	vshll.u32 v2, $0x3  }
0x152: {  	v2 =	vand.u32 $0x7, v2;
	v3 =	vand.u32 $0xFFFFFFC0, v3  }
0x153: {  	v2 =	vor.u32 v2, v3  }
0x154: {  	v2 =	vperm.xlane v2, v0;
	_ =	sdelay $0x1  }
0x155: {  	v2 =	vadd.s32 v1, v2;
	_ =	sdelay $0x3  }
0x156: {  	s13 =	simm.s32 $0xC400  }
0x157: {  	[tilespmem:s13], [sflag:$0x2] =	stream.indirect_vreg.gather [hbm4b:s1+s3], $0x80, v2, vm0, $0xb8;
	[tilespmem:$0x18400] =	vst v63  }
0x158: {  	s14 =	simm.s32 $0xCC00  }
0x159: {  	[tilespmem:s14], [sflag:$0x2] =	stream.indirect_vreg.gather [hbm4b:s8+s3], $0x80, v2, vm0, $0xb8;
	[tilespmem:$0x18400] =	vst v63  }
0x15a: {  	s18 =	simm.s32 $0xD400  }
0x15b: {  	[tilespmem:s18], [sflag:$0x2] =	stream.indirect_vreg.gather [hbm4b:s9+s3], $0x80, v2, vm0, $0xb8;
	[tilespmem:$0x18400] =	vst v63  }
0x15c: {  	s20 =	simm.s32 $0xDC00  }
0x15d: {  	[tilespmem:s20], [sflag:$0x2] =	stream.indirect_vreg.gather [hbm4b:s10+s3], $0x80, v2, vm0, $0xb8;
	[tilespmem:$0x18400] =	vst v63  }
0x15e: {  	v2 =	vld.msk [tilespmem:$0x320], $0xff;
	_ =	sdelay $0x4  }
0x15f: {  	v3 =	vshll.u32 v2, $0x3  }
0x160: {  	v2 =	vand.u32 $0x7, v2;
	v3 =	vand.u32 $0xFFFFFFC0, v3  }
0x161: {  	v2 =	vor.u32 v2, v3  }
0x162: {  	v2 =	vperm.xlane v2, v0;
	_ =	sdelay $0x1  }
0x163: {  	v2 =	vadd.s32 v1, v2;
	_ =	sdelay $0x3  }
0x164: {  	s22 =	simm.s32 $0xE400  }
0x165: {  	[tilespmem:s22], [sflag:$0x2] =	stream.indirect_vreg.gather [hbm4b:s1+s3], $0x80, v2, vm0, $0xb8;
	[tilespmem:$0x18400] =	vst v63  }
0x166: {  	s22 =	simm.s32 $0xEC00  }
0x167: {  	[tilespmem:s22], [sflag:$0x2] =	stream.indirect_vreg.gather [hbm4b:s8+s3], $0x80, v2, vm0, $0xb8;
	[tilespmem:$0x18400] =	vst v63  }
0x168: {  	s23 =	simm.s32 $0xF400  }
0x169: {  	[tilespmem:s23], [sflag:$0x2] =	stream.indirect_vreg.gather [hbm4b:s9+s3], $0x80, v2, vm0, $0xb8;
	[tilespmem:$0x18400] =	vst v63  }
0x16a: {  	s24 =	simm.s32 $0xFC00  }
0x16b: {  	[tilespmem:s24], [sflag:$0x2] =	stream.indirect_vreg.gather [hbm4b:s10+s3], $0x80, v2, vm0, $0xb8;
	[tilespmem:$0x18400] =	vst v63  }
0x16c: {  	_ =	swait.ge [sflag:s17], $0x8000  }
0x16d: {  	[sflag:s17] =	ssyncset.done $0x0  }
0x16e: {  	s25 =	rddreg [dreg:$0x15];
	[sflag:s17] =	ssyncadd.s32 $0xFFFF8000  }
0x16f: {  	[hbm4b:s25+s3] =	stream.linear.scatter [tilespmem:s28], [sflag:$0x4], $0x2000, $0x38;
	[tilespmem:$0x18400] =	vst v63  }
0x170: {  	s30 =	simm.s32 $0x0;
	s20 =	simm.s32 $0x4400;
	s26 =	rddreg [dreg:$0x16]  }
0x171: {  	[hbm4b:s26+s3] =	stream.linear.scatter [tilespmem:s12], [sflag:$0x4], $0x2000, $0x38;
	[tilespmem:$0x18400] =	vst v63  }
0x172: {  	s22 =	simm.s32 $0x228;
	s23 =	simm.s32 $0x6400;
	s28 =	rddreg [dreg:$0x18]  }
0x173: {  	[hbm4b:s28+s3] =	stream.linear.scatter [tilespmem:s16], [sflag:$0x4], $0x2000, $0x38;
	[tilespmem:$0x18400] =	vst v63  }
0x174: {  	s24 =	simm.s32 $0x3C00;
	s31 =	rddreg [dreg:$0x19];
	s25 =	simm.s32 $0x7C00  }
0x175: {  	[hbm4b:s31+s3] =	stream.linear.scatter [tilespmem:s29], [sflag:$0x4], $0x2000, $0x38;
	[tilespmem:$0x18400] =	vst v63  }
0x176: {  	s12 =	simm.s32 $0x400;
	s16 =	simm.s32 $0x2400;
	s29 =	simm.s32 $0x5400  }
.LBB2_2:
0x177: {  	_ =	swait.ge [sflag:s6], $0x8000  }
0x178: {  	[sflag:s6] =	ssyncset.done $0x0  }
0x179: {  	[sflag:s6] =	ssyncadd.s32 $0xFFFF8000  }
0x17a: {  	v2 =	vld.msk [tilespmem:s22+$0xFFFFFE00], $0xff;
	_ =	sdelay $0x4  }
0x17b: {  	v3 =	vshll.u32 v2, $0x3  }
0x17c: {  	v2 =	vand.u32 $0x7, v2;
	v3 =	vand.u32 $0xFFFFFFC0, v3  }
0x17d: {  	v2 =	vor.u32 v2, v3  }
0x17e: {  	v2 =	vperm.xlane v2, v0;
	_ =	sdelay $0x1  }
0x17f: {  	v2 =	vadd.s32 v1, v2;
	_ =	sdelay $0x4  }
0x180: {  	[tilespmem:s4], [sflag:$0x3] =	stream.indirect_vreg.gather [hbm4b:s1+s3], $0x80, v2, vm0, $0xb8;
	[tilespmem:$0x18400] =	vst v63  }
0x181: {  	s0 =	simm.s32 $0x10C00  }
0x182: {  	[tilespmem:s0], [sflag:$0x3] =	stream.indirect_vreg.gather [hbm4b:s8+s3], $0x80, v2, vm0, $0xb8;
	[tilespmem:$0x18400] =	vst v63  }
0x183: {  	s26 =	simm.s32 $0x11400  }
0x184: {  	[tilespmem:s26], [sflag:$0x3] =	stream.indirect_vreg.gather [hbm4b:s9+s3], $0x80, v2, vm0, $0xb8;
	[tilespmem:$0x18400] =	vst v63  }
0x185: {  	s13 =	simm.s32 $0x11C00  }
0x186: {  	[tilespmem:s13], [sflag:$0x3] =	stream.indirect_vreg.gather [hbm4b:s10+s3], $0x80, v2, vm0, $0xb8;
	[tilespmem:$0x18400] =	vst v63  }
0x187: {  	v2 =	vld.msk [tilespmem:s22+$0xFFFFFF00], $0xff;
	_ =	sdelay $0x4  }
0x188: {  	v3 =	vshll.u32 v2, $0x3  }
0x189: {  	v2 =	vand.u32 $0x7, v2;
	v3 =	vand.u32 $0xFFFFFFC0, v3  }
0x18a: {  	v2 =	vor.u32 v2, v3  }
0x18b: {  	v2 =	vperm.xlane v2, v0;
	_ =	sdelay $0x1  }
0x18c: {  	v2 =	vadd.s32 v1, v2;
	_ =	sdelay $0x4  }
0x18d: {  	[tilespmem:s7], [sflag:$0x3] =	stream.indirect_vreg.gather [hbm4b:s1+s3], $0x80, v2, vm0, $0xb8;
	[tilespmem:$0x18400] =	vst v63  }
0x18e: {  	s14 =	simm.s32 $0x12C00  }
0x18f: {  	[tilespmem:s14], [sflag:$0x3] =	stream.indirect_vreg.gather [hbm4b:s8+s3], $0x80, v2, vm0, $0xb8;
	[tilespmem:$0x18400] =	vst v63  }
0x190: {  	s18 =	simm.s32 $0x13400  }
0x191: {  	[tilespmem:s18], [sflag:$0x3] =	stream.indirect_vreg.gather [hbm4b:s9+s3], $0x80, v2, vm0, $0xb8;
	[tilespmem:$0x18400] =	vst v63  }
0x192: {  	s26 =	simm.s32 $0x13C00  }
0x193: {  	[tilespmem:s26], [sflag:$0x3] =	stream.indirect_vreg.gather [hbm4b:s10+s3], $0x80, v2, vm0, $0xb8;
	[tilespmem:$0x18400] =	vst v63  }
0x194: {  	v2 =	vld.msk [tilespmem:s22+$0x0], $0xff;
	_ =	sdelay $0x4  }
0x195: {  	v3 =	vshll.u32 v2, $0x3  }
0x196: {  	v2 =	vand.u32 $0x7, v2;
	v3 =	vand.u32 $0xFFFFFFC0, v3  }
0x197: {  	v2 =	vor.u32 v2, v3  }
0x198: {  	v2 =	vperm.xlane v2, v0;
	_ =	sdelay $0x1  }
0x199: {  	v2 =	vadd.s32 v1, v2;
	_ =	sdelay $0x4  }
0x19a: {  	[tilespmem:s11], [sflag:$0x3] =	stream.indirect_vreg.gather [hbm4b:s1+s3], $0x80, v2, vm0, $0xb8;
	[tilespmem:$0x18400] =	vst v63  }
0x19b: {  	s13 =	simm.s32 $0x14C00  }
0x19c: {  	[tilespmem:s13], [sflag:$0x3] =	stream.indirect_vreg.gather [hbm4b:s8+s3], $0x80, v2, vm0, $0xb8;
	[tilespmem:$0x18400] =	vst v63  }
0x19d: {  	s14 =	simm.s32 $0x15400  }
0x19e: {  	[tilespmem:s14], [sflag:$0x3] =	stream.indirect_vreg.gather [hbm4b:s9+s3], $0x80, v2, vm0, $0xb8;
	[tilespmem:$0x18400] =	vst v63  }
0x19f: {  	s18 =	simm.s32 $0x15C00  }
0x1a0: {  	[tilespmem:s18], [sflag:$0x3] =	stream.indirect_vreg.gather [hbm4b:s10+s3], $0x80, v2, vm0, $0xb8;
	[tilespmem:$0x18400] =	vst v63  }
0x1a1: {  	v2 =	vld.msk [tilespmem:s22+$0x100], $0xff;
	_ =	sdelay $0x4  }
0x1a2: {  	v3 =	vshll.u32 v2, $0x3  }
0x1a3: {  	v2 =	vand.u32 $0x7, v2;
	v3 =	vand.u32 $0xFFFFFFC0, v3  }
0x1a4: {  	v2 =	vor.u32 v2, v3  }
0x1a5: {  	v2 =	vperm.xlane v2, v0;
	_ =	sdelay $0x1  }
0x1a6: {  	v2 =	vadd.s32 v1, v2;
	_ =	sdelay $0x4  }
0x1a7: {  	[tilespmem:s15], [sflag:$0x3] =	stream.indirect_vreg.gather [hbm4b:s1+s3], $0x80, v2, vm0, $0xb8;
	[tilespmem:$0x18400] =	vst v63  }
0x1a8: {  	s26 =	simm.s32 $0x16C00  }
0x1a9: {  	[tilespmem:s26], [sflag:$0x3] =	stream.indirect_vreg.gather [hbm4b:s8+s3], $0x80, v2, vm0, $0xb8;
	[tilespmem:$0x18400] =	vst v63  }
0x1aa: {  	s13 =	simm.s32 $0x17400  }
0x1ab: {  	[tilespmem:s13], [sflag:$0x3] =	stream.indirect_vreg.gather [hbm4b:s9+s3], $0x80, v2, vm0, $0xb8;
	[tilespmem:$0x18400] =	vst v63  }
0x1ac: {  	s14 =	simm.s32 $0x17C00  }
0x1ad: {  	[tilespmem:s14], [sflag:$0x3] =	stream.indirect_vreg.gather [hbm4b:s10+s3], $0x80, v2, vm0, $0xb8;
	[tilespmem:$0x18400] =	vst v63  }
0x1ae: {  	_ =	swait.ge [sflag:s19], $0x8000  }
0x1af: {  	s13 =	rddreg [dreg:$0x4]  }
0x1b0: {  	[sflag:s19] =	ssyncset.done $0x0;
	s13 =	sadd.s32 s30, s13  }
0x1b1: {  	s31 =	simm.s32 $0x8400;
	[sflag:s19] =	ssyncadd.s32 $0xFFFF8000;
	s14 =	sadd.s32 $0x1000, s13  }
0x1b2: {  	[hbm4b:s14+s3] =	stream.linear.scatter [tilespmem:s31], [sflag:$0x5], $0x2000, $0x38;
	[tilespmem:$0x18400] =	vst v63  }
0x1b3: {  	s26 =	simm.s32 $0xA400;
	s18 =	sadd.s32 $0x101000, s13  }
0x1b4: {  	[hbm4b:s18+s3] =	stream.linear.scatter [tilespmem:s26], [sflag:$0x5], $0x2000, $0x38;
	[tilespmem:$0x18400] =	vst v63  }
0x1b5: {  	s28 =	simm.s32 $0xC400;
	s0 =	sadd.s32 $0x201000, s13  }
0x1b6: {  	[hbm4b:s0+s3] =	stream.linear.scatter [tilespmem:s28], [sflag:$0x5], $0x2000, $0x38;
	[tilespmem:$0x18400] =	vst v63  }
0x1b7: {  	s18 =	sadd.s32 $0x301000, s13;
	s0 =	simm.s32 $0xE400  }
0x1b8: {  	[hbm4b:s18+s3] =	stream.linear.scatter [tilespmem:s0], [sflag:$0x5], $0x2000, $0x38;
	[tilespmem:$0x18400] =	vst v63  }
0x1b9: {  	_ =	swait.ge [sflag:s2], $0x8000  }
0x1ba: {  	[sflag:s2] =	ssyncset.done $0x0  }
0x1bb: {  	[sflag:s2] =	ssyncadd.s32 $0xFFFF8000  }
0x1bc: {  	v2 =	vld.msk [tilespmem:s22+$0xFFFFFE08], $0xff;
	_ =	sdelay $0x4  }
0x1bd: {  	v3 =	vshll.u32 v2, $0x3  }
0x1be: {  	v2 =	vand.u32 $0x7, v2;
	v3 =	vand.u32 $0xFFFFFFC0, v3  }
0x1bf: {  	v2 =	vor.u32 v2, v3  }
0x1c0: {  	v2 =	vperm.xlane v2, v0;
	_ =	sdelay $0x1  }
0x1c1: {  	v2 =	vadd.s32 v1, v2;
	_ =	sdelay $0x4  }
0x1c2: {  	[tilespmem:s12], [sflag:$0x1] =	stream.indirect_vreg.gather [hbm4b:s1+s3], $0x80, v2, vm0, $0xb8;
	[tilespmem:$0x18400] =	vst v63  }
0x1c3: {  	s18 =	simm.s32 $0xC00  }
0x1c4: {  	[tilespmem:s18], [sflag:$0x1] =	stream.indirect_vreg.gather [hbm4b:s8+s3], $0x80, v2, vm0, $0xb8;
	[tilespmem:$0x18400] =	vst v63  }
0x1c5: {  	s18 =	simm.s32 $0x1400  }
0x1c6: {  	[tilespmem:s18], [sflag:$0x1] =	stream.indirect_vreg.gather [hbm4b:s9+s3], $0x80, v2, vm0, $0xb8;
	[tilespmem:$0x18400] =	vst v63  }
0x1c7: {  	s18 =	simm.s32 $0x1C00  }
0x1c8: {  	[tilespmem:s18], [sflag:$0x1] =	stream.indirect_vreg.gather [hbm4b:s10+s3], $0x80, v2, vm0, $0xb8;
	[tilespmem:$0x18400] =	vst v63  }
0x1c9: {  	v2 =	vld.msk [tilespmem:s22+$0xFFFFFF08], $0xff;
	_ =	sdelay $0x4  }
0x1ca: {  	v3 =	vshll.u32 v2, $0x3  }
0x1cb: {  	v2 =	vand.u32 $0x7, v2;
	v3 =	vand.u32 $0xFFFFFFC0, v3  }
0x1cc: {  	v2 =	vor.u32 v2, v3  }
0x1cd: {  	v2 =	vperm.xlane v2, v0;
	_ =	sdelay $0x1  }
0x1ce: {  	v2 =	vadd.s32 v1, v2;
	_ =	sdelay $0x4  }
0x1cf: {  	[tilespmem:s16], [sflag:$0x1] =	stream.indirect_vreg.gather [hbm4b:s1+s3], $0x80, v2, vm0, $0xb8;
	[tilespmem:$0x18400] =	vst v63  }
0x1d0: {  	s18 =	simm.s32 $0x2C00  }
0x1d1: {  	[tilespmem:s18], [sflag:$0x1] =	stream.indirect_vreg.gather [hbm4b:s8+s3], $0x80, v2, vm0, $0xb8;
	[tilespmem:$0x18400] =	vst v63  }
0x1d2: {  	s18 =	simm.s32 $0x3400  }
0x1d3: {  	[tilespmem:s18], [sflag:$0x1] =	stream.indirect_vreg.gather [hbm4b:s9+s3], $0x80, v2, vm0, $0xb8;
	[tilespmem:$0x18400] =	vst v63  }
0x1d4: {  	_ = 	snop  }
0x1d5: {  	[tilespmem:s24], [sflag:$0x1] =	stream.indirect_vreg.gather [hbm4b:s10+s3], $0x80, v2, vm0, $0xb8;
	[tilespmem:$0x18400] =	vst v63  }
0x1d6: {  	v2 =	vld.msk [tilespmem:s22+$0x8], $0xff;
	_ =	sdelay $0x4  }
0x1d7: {  	v3 =	vshll.u32 v2, $0x3  }
0x1d8: {  	v2 =	vand.u32 $0x7, v2;
	v3 =	vand.u32 $0xFFFFFFC0, v3  }
0x1d9: {  	v2 =	vor.u32 v2, v3  }
0x1da: {  	v2 =	vperm.xlane v2, v0;
	_ =	sdelay $0x1  }
0x1db: {  	v2 =	vadd.s32 v1, v2;
	_ =	sdelay $0x4  }
0x1dc: {  	[tilespmem:s20], [sflag:$0x1] =	stream.indirect_vreg.gather [hbm4b:s1+s3], $0x80, v2, vm0, $0xb8;
	[tilespmem:$0x18400] =	vst v63  }
0x1dd: {  	s18 =	simm.s32 $0x4C00  }
0x1de: {  	[tilespmem:s18], [sflag:$0x1] =	stream.indirect_vreg.gather [hbm4b:s8+s3], $0x80, v2, vm0, $0xb8;
	[tilespmem:$0x18400] =	vst v63  }
0x1df: {  	_ = 	snop  }
0x1e0: {  	[tilespmem:s29], [sflag:$0x1] =	stream.indirect_vreg.gather [hbm4b:s9+s3], $0x80, v2, vm0, $0xb8;
	[tilespmem:$0x18400] =	vst v63  }
0x1e1: {  	s18 =	simm.s32 $0x5C00  }
0x1e2: {  	[tilespmem:s18], [sflag:$0x1] =	stream.indirect_vreg.gather [hbm4b:s10+s3], $0x80, v2, vm0, $0xb8;
	[tilespmem:$0x18400] =	vst v63  }
0x1e3: {  	v2 =	vld.msk [tilespmem:s22+$0x108], $0xff;
	_ =	sdelay $0x4  }
0x1e4: {  	v3 =	vshll.u32 v2, $0x3  }
0x1e5: {  	v2 =	vand.u32 $0x7, v2;
	v3 =	vand.u32 $0xFFFFFFC0, v3  }
0x1e6: {  	v2 =	vor.u32 v2, v3  }
0x1e7: {  	v2 =	vperm.xlane v2, v0;
	_ =	sdelay $0x1  }
0x1e8: {  	v2 =	vadd.s32 v1, v2;
	_ =	sdelay $0x4  }
0x1e9: {  	[tilespmem:s23], [sflag:$0x1] =	stream.indirect_vreg.gather [hbm4b:s1+s3], $0x80, v2, vm0, $0xb8;
	[tilespmem:$0x18400] =	vst v63  }
0x1ea: {  	s18 =	simm.s32 $0x6C00  }
0x1eb: {  	[tilespmem:s18], [sflag:$0x1] =	stream.indirect_vreg.gather [hbm4b:s8+s3], $0x80, v2, vm0, $0xb8;
	[tilespmem:$0x18400] =	vst v63  }
0x1ec: {  	s18 =	simm.s32 $0x7400  }
0x1ed: {  	[tilespmem:s18], [sflag:$0x1] =	stream.indirect_vreg.gather [hbm4b:s9+s3], $0x80, v2, vm0, $0xb8;
	[tilespmem:$0x18400] =	vst v63  }
0x1ee: {  	_ = 	snop  }
0x1ef: {  	[tilespmem:s25], [sflag:$0x1] =	stream.indirect_vreg.gather [hbm4b:s10+s3], $0x80, v2, vm0, $0xb8;
	[tilespmem:$0x18400] =	vst v63  }
0x1f0: {  	_ =	swait.ge [sflag:s5], $0x8000  }
0x1f1: {  	[sflag:s5] =	ssyncset.done $0x0  }
0x1f2: {  	s18 =	sadd.s32 $0x1400, s13;
	[sflag:s5] =	ssyncadd.s32 $0xFFFF8000  }
0x1f3: {  	[hbm4b:s18+s3] =	stream.linear.scatter [tilespmem:s4], [sflag:$0x6], $0x2000, $0x38;
	[tilespmem:$0x18400] =	vst v63  }
0x1f4: {  	s18 =	sadd.s32 $0x101400, s13  }
0x1f5: {  	[hbm4b:s18+s3] =	stream.linear.scatter [tilespmem:s7], [sflag:$0x6], $0x2000, $0x38;
	[tilespmem:$0x18400] =	vst v63  }
0x1f6: {  	s18 =	sadd.s32 $0x201400, s13  }
0x1f7: {  	[hbm4b:s18+s3] =	stream.linear.scatter [tilespmem:s11], [sflag:$0x6], $0x2000, $0x38;
	[tilespmem:$0x18400] =	vst v63  }
0x1f8: {  	s18 =	sadd.s32 $0x301400, s13  }
0x1f9: {  	[hbm4b:s18+s3] =	stream.linear.scatter [tilespmem:s15], [sflag:$0x6], $0x2000, $0x38;
	[tilespmem:$0x18400] =	vst v63  }
0x1fa: {  	_ =	swait.ge [sflag:s21], $0x8000  }
0x1fb: {  	[sflag:s21] =	ssyncset.done $0x0  }
0x1fc: {  	[sflag:s21] =	ssyncadd.s32 $0xFFFF8000  }
0x1fd: {  	v2 =	vld.msk [tilespmem:s22+$0xFFFFFE10], $0xff;
	_ =	sdelay $0x4  }
0x1fe: {  	v3 =	vshll.u32 v2, $0x3  }
0x1ff: {  	v2 =	vand.u32 $0x7, v2;
	v3 =	vand.u32 $0xFFFFFFC0, v3  }
0x200: {  	v2 =	vor.u32 v2, v3  }
0x201: {  	v2 =	vperm.xlane v2, v0;
	_ =	sdelay $0x1  }
0x202: {  	v2 =	vadd.s32 v1, v2;
	_ =	sdelay $0x4  }
0x203: {  	[tilespmem:s31], [sflag:$0x2] =	stream.indirect_vreg.gather [hbm4b:s1+s3], $0x80, v2, vm0, $0xb8;
	[tilespmem:$0x18400] =	vst v63  }
0x204: {  	s14 =	simm.s32 $0x8C00  }
0x205: {  	[tilespmem:s14], [sflag:$0x2] =	stream.indirect_vreg.gather [hbm4b:s8+s3], $0x80, v2, vm0, $0xb8;
	[tilespmem:$0x18400] =	vst v63  }
0x206: {  	s14 =	simm.s32 $0x9400  }
0x207: {  	[tilespmem:s14], [sflag:$0x2] =	stream.indirect_vreg.gather [hbm4b:s9+s3], $0x80, v2, vm0, $0xb8;
	[tilespmem:$0x18400] =	vst v63  }
0x208: {  	s14 =	simm.s32 $0x9C00  }
0x209: {  	[tilespmem:s14], [sflag:$0x2] =	stream.indirect_vreg.gather [hbm4b:s10+s3], $0x80, v2, vm0, $0xb8;
	[tilespmem:$0x18400] =	vst v63  }
0x20a: {  	v2 =	vld.msk [tilespmem:s22+$0xFFFFFF10], $0xff;
	_ =	sdelay $0x4  }
0x20b: {  	v3 =	vshll.u32 v2, $0x3  }
0x20c: {  	v2 =	vand.u32 $0x7, v2;
	v3 =	vand.u32 $0xFFFFFFC0, v3  }
0x20d: {  	v2 =	vor.u32 v2, v3  }
0x20e: {  	v2 =	vperm.xlane v2, v0;
	_ =	sdelay $0x1  }
0x20f: {  	v2 =	vadd.s32 v1, v2;
	_ =	sdelay $0x4  }
0x210: {  	[tilespmem:s26], [sflag:$0x2] =	stream.indirect_vreg.gather [hbm4b:s1+s3], $0x80, v2, vm0, $0xb8;
	[tilespmem:$0x18400] =	vst v63  }
0x211: {  	s26 =	simm.s32 $0xAC00  }
0x212: {  	[tilespmem:s26], [sflag:$0x2] =	stream.indirect_vreg.gather [hbm4b:s8+s3], $0x80, v2, vm0, $0xb8;
	[tilespmem:$0x18400] =	vst v63  }
0x213: {  	s26 =	simm.s32 $0xB400  }
0x214: {  	[tilespmem:s26], [sflag:$0x2] =	stream.indirect_vreg.gather [hbm4b:s9+s3], $0x80, v2, vm0, $0xb8;
	[tilespmem:$0x18400] =	vst v63  }
0x215: {  	s26 =	simm.s32 $0xBC00  }
0x216: {  	[tilespmem:s26], [sflag:$0x2] =	stream.indirect_vreg.gather [hbm4b:s10+s3], $0x80, v2, vm0, $0xb8;
	[tilespmem:$0x18400] =	vst v63  }
0x217: {  	v2 =	vld.msk [tilespmem:s22+$0x10], $0xff;
	_ =	sdelay $0x4  }
0x218: {  	v3 =	vshll.u32 v2, $0x3  }
0x219: {  	v2 =	vand.u32 $0x7, v2;
	v3 =	vand.u32 $0xFFFFFFC0, v3  }
0x21a: {  	v2 =	vor.u32 v2, v3  }
0x21b: {  	v2 =	vperm.xlane v2, v0;
	_ =	sdelay $0x1  }
0x21c: {  	v2 =	vadd.s32 v1, v2;
	_ =	sdelay $0x4  }
0x21d: {  	[tilespmem:s28], [sflag:$0x2] =	stream.indirect_vreg.gather [hbm4b:s1+s3], $0x80, v2, vm0, $0xb8;
	[tilespmem:$0x18400] =	vst v63  }
0x21e: {  	s14 =	simm.s32 $0xCC00  }
0x21f: {  	[tilespmem:s14], [sflag:$0x2] =	stream.indirect_vreg.gather [hbm4b:s8+s3], $0x80, v2, vm0, $0xb8;
	[tilespmem:$0x18400] =	vst v63  }
0x220: {  	s14 =	simm.s32 $0xD400  }
0x221: {  	[tilespmem:s14], [sflag:$0x2] =	stream.indirect_vreg.gather [hbm4b:s9+s3], $0x80, v2, vm0, $0xb8;
	[tilespmem:$0x18400] =	vst v63  }
0x222: {  	s14 =	simm.s32 $0xDC00  }
0x223: {  	[tilespmem:s14], [sflag:$0x2] =	stream.indirect_vreg.gather [hbm4b:s10+s3], $0x80, v2, vm0, $0xb8;
	[tilespmem:$0x18400] =	vst v63  }
0x224: {  	v2 =	vld.msk [tilespmem:s22+$0x110], $0xff;
	_ =	sdelay $0x4  }
0x225: {  	v3 =	vshll.u32 v2, $0x3  }
0x226: {  	v2 =	vand.u32 $0x7, v2;
	v3 =	vand.u32 $0xFFFFFFC0, v3  }
0x227: {  	v2 =	vor.u32 v2, v3  }
0x228: {  	v2 =	vperm.xlane v2, v0;
	_ =	sdelay $0x1  }
0x229: {  	v2 =	vadd.s32 v1, v2;
	_ =	sdelay $0x4  }
0x22a: {  	[tilespmem:s0], [sflag:$0x2] =	stream.indirect_vreg.gather [hbm4b:s1+s3], $0x80, v2, vm0, $0xb8;
	[tilespmem:$0x18400] =	vst v63  }
0x22b: {  	s14 =	simm.s32 $0xEC00  }
0x22c: {  	[tilespmem:s14], [sflag:$0x2] =	stream.indirect_vreg.gather [hbm4b:s8+s3], $0x80, v2, vm0, $0xb8;
	[tilespmem:$0x18400] =	vst v63  }
0x22d: {  	s14 =	simm.s32 $0xF400  }
0x22e: {  	[tilespmem:s14], [sflag:$0x2] =	stream.indirect_vreg.gather [hbm4b:s9+s3], $0x80, v2, vm0, $0xb8;
	[tilespmem:$0x18400] =	vst v63  }
0x22f: {  	s14 =	simm.s32 $0xFC00  }
0x230: {  	[tilespmem:s14], [sflag:$0x2] =	stream.indirect_vreg.gather [hbm4b:s10+s3], $0x80, v2, vm0, $0xb8;
	[tilespmem:$0x18400] =	vst v63  }
0x231: {  	_ =	swait.ge [sflag:s17], $0x8000  }
0x232: {  	[sflag:s17] =	ssyncset.done $0x0  }
0x233: {  	s0 =	sadd.s32 $0x1800, s13;
	[sflag:s17] =	ssyncadd.s32 $0xFFFF8000  }
0x234: {  	[hbm4b:s0+s3] =	stream.linear.scatter [tilespmem:s12], [sflag:$0x4], $0x2000, $0x38;
	[tilespmem:$0x18400] =	vst v63  }
0x235: {  	p0 =	sne.s32 s30, $0x6000;
	s0 =	sadd.s32 $0x101800, s13  }
0x236: {  	[hbm4b:s0+s3] =	stream.linear.scatter [tilespmem:s16], [sflag:$0x4], $0x2000, $0x38;
	[tilespmem:$0x18400] =	vst v63  }
.Ltmp0:
0x237: {  	s30 =	sadd.s32 $0xC00, s30;
	s18 =	simm.s32 $0x8400;
	(pc) =	sbr.rel @p0 .LBB2_2-.Ltmp0, $4  }
0x238: {  	s31 =	simm.s32 $0xA400;
	s26 =	simm.s32 $0xC400;
	s0 =	sadd.s32 $0x201800, s13  }
0x239: {  	[hbm4b:s0+s3] =	stream.linear.scatter [tilespmem:s20], [sflag:$0x4], $0x2000, $0x38;
	[tilespmem:$0x18400] =	vst v63  }
0x23a: {  	s28 =	simm.s32 $0xE400;
	s22 =	sadd.s32 $0x18, s22;
	s13 =	sadd.s32 $0x301800, s13  }
0x23b: {  	[hbm4b:s13+s3] =	stream.linear.scatter [tilespmem:s23], [sflag:$0x4], $0x2000, $0x38;
	[tilespmem:$0x18400] =	vst v63  }
0x23c: {  	_ =	swait.ge [sflag:s19], $0x8000  }
0x23d: {  	[sflag:s19] =	ssyncset.done $0x0  }
0x23e: {  	s13 =	rddreg [dreg:$0x1a];
	[sflag:s19] =	ssyncadd.s32 $0xFFFF8000  }
0x23f: {  	[hbm4b:s13+s3] =	stream.linear.scatter [tilespmem:s18], [sflag:$0x5], $0x2000, $0x38;
	[tilespmem:$0x18400] =	vst v63  }
0x240: {  	s23 =	rddreg [dreg:$0x1b]  }
0x241: {  	[hbm4b:s23+s3] =	stream.linear.scatter [tilespmem:s31], [sflag:$0x5], $0x2000, $0x38;
	[tilespmem:$0x18400] =	vst v63  }
0x242: {  	s24 =	rddreg [dreg:$0x1c]  }
0x243: {  	[hbm4b:s24+s3] =	stream.linear.scatter [tilespmem:s26], [sflag:$0x5], $0x2000, $0x38;
	[tilespmem:$0x18400] =	vst v63  }
0x244: {  	s25 =	rddreg [dreg:$0x1d]  }
0x245: {  	[hbm4b:s25+s3] =	stream.linear.scatter [tilespmem:s28], [sflag:$0x5], $0x2000, $0x38;
	[tilespmem:$0x18400] =	vst v63  }
0x246: {  	_ =	swait.ge [sflag:s2], $0x8000  }
0x247: {  	[sflag:s2] =	ssyncset.done $0x0  }
0x248: {  	[sflag:s2] =	ssyncadd.s32 $0xFFFF8000  }
0x249: {  	_ =	swait.ge [sflag:s21], $0x8000  }
0x24a: {  	[sflag:s21] =	ssyncset.done $0x0  }
0x24b: {  	[sflag:s21] =	ssyncadd.s32 $0xFFFF8000  }
0x24c: {  	_ =	swait.ge [sflag:s6], $0x8000  }
0x24d: {  	s30 =	simm.s32 $0xC00;
	s4 =	rddreg [dreg:$0x1e]  }
0x24e: {  	s0 =	simm.s32 $0x2C00;
	s26 =	rddreg [dreg:$0x17];
	s4 =	sadd.s32 $0x1, s4  }
0x24f: {  	s12 =	simm.s32 $0x2400;
	s16 =	simm.s32 $0x4400;
	p0 =	sne.s32 s4, s26  }
.Ltmp1:
0x250: {  	s20 =	simm.s32 $0x3C00;
	s29 =	simm.s32 $0x6400;
	(pc) =	sbr.rel @p0 .LBB2_1-.Ltmp1, $4  }
0x251: {  	s7 =	simm.s32 $0x11400;
	s11 =	simm.s32 $0x12C00;
	s15 =	simm.s32 $0x14C00  }
0x252: {  	s18 =	simm.s32 $0x5400;
	s31 =	simm.s32 $0x1400;
	s23 =	simm.s32 $0x5C00  }
0x253: {  	s24 =	simm.s32 $0x4C00;
	s25 =	simm.s32 $0x1C00;
	[sflag:s6] =	ssyncset.done $0x0  }
0x254: {  	s28 =	simm.s32 $0x400;
	[sflag:s6] =	ssyncadd.s32 $0xFFFF8000;
	s26 =	simm.s32 $0x3400  }
0x255: {  	_ =	sfence.sel $0x180000  }
0x256: {  	[bflag:$0x0] =	sbarrier.arrive $0xFFFF  }
0x257: {  	_ =	strace $0x90000047  }
0x258: {  	s0 =	stileid.u32;
	[bflag:$0x2] =	sbarrier.arrive $0xFFFF  }
0x259: {  	p0 =	sne.s32 s0, $0x0;
	s0 =	rddreg [dreg:$0x3]  }
0x25a: {  	s0 =	sadd.s32 @!p0 $0x100000, s0  }
0x25b: {  	[sflag:s0] =	ssyncadd.tile.s32 @!p0 $0x1;
	_ =	shalt  }
.Lfunc_end2:
_tile_overlayer_lowered:
.L_overlay_start_2:
0x25c: {  	(tag) =	ssettag $0x2  }
0x25d: {  	s0 =	rddreg [dreg:$0x0];
	s2 =	stileid.u32  }
0x25e: {  	s1 =	rddreg [dreg:$0x1];
	p0 =	sne.s32 s2, $0x0  }
0x25f: {  	s3 =	rddreg [dreg:$0x2];
	[bflag:$0x3] =	sbarrier.arrive $0xFFFF;
	s2 =	simm.s32 @!p0 $0x1C07  }
0x260: {  	[timem:s3], [sflag:s2] =	dma.local @!p0 [hbm:s0], s1  }
0x261: {  	s0 =	simm.s32 @!p0 $0x7  }
0x262: {  	_ =	swait.ge @!p0 [sflag:s0], s1  }
0x263: {  	s1 =	ssub.s32 @!p0 $0x0, s1;
	[sflag:s0] =	ssyncset.done @!p0 $0x0  }
0x264: {  	[sflag:s0] =	ssyncadd.s32 @!p0 s1  }
0x265: {  	[bflag:$0x3] =	sbarrier.arrive $0xFFFF  }
0x266: {  	_ =	shalt  }

</sc_bundles>
